<compile_context>
chip_gen: v7x
topology: tpu7x:2x2x1
jax: 0.10.2.dev20260603
libtpu: 0.0.44.dev20260713+nightly
codegen_flags: <defaults>
</compile_context>

<pallas_src>
import jax
import jax.numpy as jnp
from jax import lax
from jax.experimental import pallas as pl
from jax.experimental.pallas import tpu as pltpu
from jax.experimental.pallas import tpu_sc as plsc

NUM_LOCAL = 10000
NUM_HALO = 2000
NUM_EDGES = 320000
D = 128

NC = 2
NS = 16
NW = NC * NS
L = 16

PER_TILE = NUM_EDGES // NW
CHUNK = 128
NBUF = 3
NTRIP = PER_TILE // (NBUF * CHUNK)
TAIL = PER_TILE - NTRIP * NBUF * CHUNK

RTBL_ROWS = 12048

ROWS_PER_TILE = 632
ACC_ROWS = ROWS_PER_TILE * NS
SCRAP_ROW = NUM_LOCAL


def _sc_body(src_hbm, dst_hbm, rtbl_hbm, x_hbm, zero_hbm, agg_hbm,
             srcs, dsts, src_t, dst_t, rows, gsems, ssems, acc_sh):
    cid = lax.axis_index("c")
    sid = lax.axis_index("s")
    wid = sid * NC + cid

    pltpu.sync_copy(zero_hbm, rows[0])
    done = 0
    zdescs = []
    while done < ROWS_PER_TILE:
        c = min(CHUNK, ROWS_PER_TILE - done)
        zdescs.append(pltpu.async_copy(
            rows[0].at[pl.ds(0, c)],
            acc_sh.at[pl.ds(sid * ROWS_PER_TILE + done, c)],
            gsems[len(zdescs) % NBUF]))
        done += c
    for d in zdescs:
        d.wait()
    plsc.subcore_barrier()

    base = wid * PER_TILE

    def clamp(dv):
        for i in range(CHUNK // L):
            dv[pl.ds(i * L, L)] = jnp.minimum(dv[pl.ds(i * L, L)], SCRAP_ROW)

    def trip_body(k, carry):
        rdescs = []
        for j in range(NBUF):
            off = base + (k * NBUF + j) * CHUNK

            @pl.when(k > 0)
            def _(j=j):
                pltpu.make_async_copy(rows[j], acc_sh.at[srcs[j]],
                                      ssems[j]).wait()

            pltpu.sync_copy(src_hbm.at[pl.ds(off, CHUNK)], srcs[j])
            rdescs.append(pltpu.async_copy(rtbl_hbm.at[srcs[j]], dsts[j],
                                           gsems[j]))
        descs = []
        for j in range(NBUF):
            off = base + (k * NBUF + j) * CHUNK
            rdescs[j].wait()
            pltpu.sync_copy(dst_hbm.at[pl.ds(off, CHUNK)], srcs[j])
            clamp(srcs[j])
            descs.append(pltpu.async_copy(x_hbm.at[dsts[j]], rows[j],
                                          gsems[j]))
        for j in range(NBUF):
            descs[j].wait()
            pltpu.async_copy(rows[j], acc_sh.at[srcs[j]], ssems[j], add=True)
        return carry

    lax.fori_loop(0, NTRIP, trip_body, 0)
    for j in range(NBUF):
        pltpu.make_async_copy(rows[j], acc_sh.at[srcs[j]], ssems[j]).wait()

    offt = base + NTRIP * NBUF * CHUNK
    pltpu.sync_copy(src_hbm.at[pl.ds(offt, TAIL)], src_t)
    pltpu.async_copy(rtbl_hbm.at[src_t], dst_t, gsems[0]).wait()
    src_t[...] = dst_t[...]
    pltpu.sync_copy(dst_hbm.at[pl.ds(offt, TAIL)], dst_t)
    dst_t[...] = jnp.minimum(dst_t[...], SCRAP_ROW)
    pltpu.async_copy(x_hbm.at[src_t], rows[0].at[pl.ds(0, TAIL)],
                     gsems[0]).wait()
    pltpu.sync_copy(rows[0].at[pl.ds(0, TAIL)], acc_sh.at[dst_t], add=True)
    plsc.subcore_barrier()

    a0 = sid * ROWS_PER_TILE
    done = 0
    outs = []
    while done < ROWS_PER_TILE:
        c = min(CHUNK, ROWS_PER_TILE - done)
        j = len(outs) % NBUF
        if len(outs) >= NBUF:
            outs[len(outs) - NBUF].wait()
        pltpu.sync_copy(acc_sh.at[pl.ds(a0 + done, c)], rows[j].at[pl.ds(0, c)])
        outs.append(pltpu.async_copy(rows[j].at[pl.ds(0, c)],
                                     agg_hbm.at[cid, pl.ds(a0 + done, c)],
                                     ssems[j]))
        done += c
    for d in outs[-NBUF:]:
        d.wait()


def _sc_message_pass(src, dst, rtbl, x, zero_init):
    mesh = plsc.VectorSubcoreMesh(core_axis_name="c", subcore_axis_name="s")
    return pl.kernel(
        _sc_body,
        out_type=jax.ShapeDtypeStruct((NC, ACC_ROWS, D), jnp.float32),
        mesh=mesh,
        scratch_types=[
            [pltpu.VMEM((CHUNK,), jnp.int32) for _ in range(NBUF)],
            [pltpu.VMEM((CHUNK,), jnp.int32) for _ in range(NBUF)],
            pltpu.VMEM((TAIL,), jnp.int32),
            pltpu.VMEM((TAIL,), jnp.int32),
            [pltpu.VMEM((CHUNK, D), jnp.float32) for _ in range(NBUF)],
            [pltpu.SemaphoreType.DMA for _ in range(NBUF)],
            [pltpu.SemaphoreType.DMA for _ in range(NBUF)],
            pltpu.VMEM_SHARED((ACC_ROWS, D), jnp.float32),
        ],
    )(src, dst, rtbl, x, zero_init)


def _tc_body(x_ref, a0_ref, a1_ref, ws_ref, wn_ref, b_ref, o_ref):
    agg = a0_ref[0] + a1_ref[0]
    o_ref[...] = (
        jnp.dot(x_ref[...], ws_ref[...], preferred_element_type=jnp.float32)
        + jnp.dot(agg, wn_ref[...], preferred_element_type=jnp.float32)
        + b_ref[...]
    )


def _tc_combine(x, aggp, W_self, W_neigh, b2):
    blk = 1000
    grid = (NUM_LOCAL // blk,)
    return pl.pallas_call(
        _tc_body,
        grid=grid,
        in_specs=[
            pl.BlockSpec((blk, D), lambda i: (i, 0)),
            pl.BlockSpec((1, blk, D), lambda i: (0, i, 0)),
            pl.BlockSpec((1, blk, D), lambda i: (1, i, 0)),
            pl.BlockSpec((D, D), lambda i: (0, 0)),
            pl.BlockSpec((D, D), lambda i: (0, 0)),
            pl.BlockSpec((1, D), lambda i: (0, 0)),
        ],
        out_specs=pl.BlockSpec((blk, D), lambda i: (i, 0)),
        out_shape=jax.ShapeDtypeStruct((NUM_LOCAL, D), jnp.float32),
    )(x, aggp, aggp, W_self, W_neigh, b2)


@jax.jit
def kernel(local_node_features, send_local_idx, edge_index, W_self, W_neigh, b):
    src = edge_index[:, 0].astype(jnp.int32)
    dst = edge_index[:, 1].astype(jnp.int32)
    rtbl = jnp.concatenate([
        jnp.arange(NUM_LOCAL, dtype=jnp.int32),
        send_local_idx.astype(jnp.int32),
        jnp.zeros((RTBL_ROWS - NUM_LOCAL - NUM_HALO,), jnp.int32),
    ])
    zero_init = jnp.zeros((CHUNK, D), jnp.float32)
    aggp = _sc_message_pass(src, dst, rtbl, local_node_features, zero_init)
    return _tc_combine(local_node_features, aggp, W_self, W_neigh,
                       b.reshape(1, D))

# --- scband reference (transcript-rebuilt; emitter-appended) ---
"""Pipeline reference for scband-dgraph-message-passing-79731772883640 (READ-ONLY COPY).

The authoritative reference and input builder live on the scoring server;
editing this copy changes nothing except your own understanding.
"""

import jax, jax.numpy as jnp
import numpy as np

NUM_LOCAL = 10000
NUM_HALO = 2000
NUM_EDGES = 320000
D = 128


def setup_inputs(seed: int = 0) -> dict:
    key = jax.random.key(seed)
    k1, k2, k3, k4, k5, k6 = jax.random.split(key, 6)
    local_node_features = jax.random.normal(k1, (NUM_LOCAL, D), dtype=jnp.float32)
    send_local_idx = jax.random.randint(k2, (NUM_HALO,), 0, NUM_LOCAL)
    edge_index = jax.random.randint(k3, (NUM_EDGES, 2), 0, NUM_LOCAL + NUM_HALO)
    W_self = jax.random.normal(k4, (D, D), dtype=jnp.float32) * 0.05
    W_neigh = jax.random.normal(k5, (D, D), dtype=jnp.float32) * 0.05
    b = jax.random.normal(k6, (D,), dtype=jnp.float32) * 0.05
    return {
        "local_node_features": local_node_features,
        "send_local_idx": send_local_idx,
        "edge_index": edge_index,
        "W_self": W_self,
        "W_neigh": W_neigh,
        "b": b,
    }


def reference(local_node_features, send_local_idx, edge_index, W_self, W_neigh, b):
    # --- Step 1: Halo exchange (single-rank simulation) ---
    # HaloExchange.__call__: gather boundary vertices, then comm.put delivers
    # them into the remote recv buffer. On one rank the recv buffer equals the
    # gathered send buffer (identity permutation via send/recv offsets).
    send_buffer = jnp.take(local_node_features, send_local_idx, axis=0)
    halo_features = send_buffer  # [NUM_HALO, D]

    # --- Step 2: Augment local subgraph with halo rows ---
    node_features = jnp.concatenate([local_node_features, halo_features], axis=0)

    # --- Step 3: Message passing on augmented subgraph (GraphConv-style) ---
    # edge_index: [E, 2] local integer indices into [NUM_LOCAL + NUM_HALO]
    src = edge_index[:, 0]
    dst = edge_index[:, 1]
    messages = jnp.take(node_features, src, axis=0)  # [E, D] gather
    agg = jax.ops.segment_sum(messages, dst, num_segments=NUM_LOCAL + NUM_HALO)
    agg_local = agg[:NUM_LOCAL]  # outputs only for locally-owned vertices
    out = local_node_features @ W_self + agg_local @ W_neigh + b
    return out

if __name__ == "__main__":
    import jax
    _d = setup_inputs()
    print(jax.jit(kernel)(*tuple(_d.values())))

</pallas_src>

<mosaic_0001>
#map = affine_map<(d0, d1) -> (0)>
#map1 = affine_map<(d0, d1) -> (0, 0)>
#map2 = affine_map<(d0, d1) -> (0, 0, 0)>
module attributes {stable_mosaic.version = 14 : i64} {
  func.func @_sc_body(%arg0: i32, %arg1: i32, %arg2: memref<320000xi32, #tpu.memory_space<hbm>>, %arg3: memref<320000xi32, #tpu.memory_space<hbm>>, %arg4: memref<12048xi32, #tpu.memory_space<hbm>>, %arg5: memref<10000x128xf32, #tpu.memory_space<hbm>>, %arg6: memref<128x128xf32, #tpu.memory_space<hbm>>, %arg7: memref<2x10112x128xf32, #tpu.memory_space<hbm>>, %arg8: memref<128xi32, #tpu.memory_space<vmem>>, %arg9: memref<128xi32, #tpu.memory_space<vmem>>, %arg10: memref<128xi32, #tpu.memory_space<vmem>>, %arg11: memref<128xi32, #tpu.memory_space<vmem>>, %arg12: memref<128xi32, #tpu.memory_space<vmem>>, %arg13: memref<128xi32, #tpu.memory_space<vmem>>, %arg14: memref<16xi32, #tpu.memory_space<vmem>>, %arg15: memref<16xi32, #tpu.memory_space<vmem>>, %arg16: memref<128x128xf32, #tpu.memory_space<vmem>>, %arg17: memref<128x128xf32, #tpu.memory_space<vmem>>, %arg18: memref<128x128xf32, #tpu.memory_space<vmem>>, %arg19: memref<!tpu.dma_semaphore, #tpu.memory_space<semaphore_mem>>, %arg20: memref<!tpu.dma_semaphore, #tpu.memory_space<semaphore_mem>>, %arg21: memref<!tpu.dma_semaphore, #tpu.memory_space<semaphore_mem>>, %arg22: memref<!tpu.dma_semaphore, #tpu.memory_space<semaphore_mem>>, %arg23: memref<!tpu.dma_semaphore, #tpu.memory_space<semaphore_mem>>, %arg24: memref<!tpu.dma_semaphore, #tpu.memory_space<semaphore_mem>>, %arg25: memref<10112x128xf32, #tpu.memory_space<vmem_shared>>) attributes {dimension_semantics = [#tpu.dimension_semantics<core_parallel>, #tpu.dimension_semantics<subcore_parallel>], iteration_bounds = array<i64: 2, 16>, scalar_prefetch = 0 : i64, scratch_operands = 18 : i64, tpu.core_type = #tpu.core_type<sc_vector_subcore>, window_params = [{transform_indices = #map}, {transform_indices = #map}, {transform_indices = #map}, {transform_indices = #map1}, {transform_indices = #map1}, {transform_indices = #map2}]} {
    %mul3A = arith.constant 2 : i32
    %mul3A_0 = arith.muli %arg1, %mul3A : i32
    %add3A = arith.addi %mul3A_0, %arg0 : i32
    "tpu.region"() ({
      %run_scoped3A = tpu.sem_alloc : memref<!tpu.dma_semaphore, #tpu.memory_space<semaphore_mem>>
      tpu.enqueue_dma source(%arg6 : memref<128x128xf32, #tpu.memory_space<hbm>>) target(%arg16 : memref<128x128xf32, #tpu.memory_space<vmem>>) target_semaphore(%run_scoped3A : memref<!tpu.dma_semaphore, #tpu.memory_space<semaphore_mem>>)
      tpu.wait_dma2 semaphore(%run_scoped3A : memref<!tpu.dma_semaphore, #tpu.memory_space<semaphore_mem>>) src(%arg6 : memref<128x128xf32, #tpu.memory_space<hbm>>) dst(%arg16 : memref<128x128xf32, #tpu.memory_space<vmem>>)
      tpu.yield
    }) : () -> ()
    %mul3A_1 = arith.constant 632 : i32
    %mul3A_2 = arith.muli %arg1, %mul3A_1 : i32
    %add3A_3 = arith.constant 0 : i32
    %add3A_4 = arith.addi %mul3A_2, %add3A_3 : i32
    %dma_start3A = arith.constant 0 : i32
    %dma_start3A_5 = arith.constant 0 : i32
    %dma_start3A_6 = tpu.memref_slice %arg16[%dma_start3A, %dma_start3A_5] : memref<128x128xf32, #tpu.memory_space<vmem>> -> memref<128x128xf32, #tpu.memory_space<vmem>>
    %dma_start3A_7 = arith.constant 0 : i32
    %dma_start3A_8 = tpu.memref_slice %arg25[%add3A_4, %dma_start3A_7] : memref<10112x128xf32, #tpu.memory_space<vmem_shared>> -> memref<128x128xf32, #tpu.memory_space<vmem_shared>>
    %dma_start3A_9 = arith.constant 0 : i32
    %dma_start3A_10 = tpu.memref_slice %arg25[%add3A_4, %dma_start3A_9] : memref<10112x128xf32, #tpu.memory_space<vmem_shared>> -> memref<128x128xf32, #tpu.memory_space<vmem_shared>>
    %dma_start3A_11 = arith.constant 0 : i32
    %dma_start3A_12 = arith.constant 0 : i32
    %dma_start3A_13 = tpu.memref_slice %arg16[%dma_start3A_11, %dma_start3A_12] : memref<128x128xf32, #tpu.memory_space<vmem>> -> memref<128x128xf32, #tpu.memory_space<vmem>>
    tpu.enqueue_dma source(%dma_start3A_13 : memref<128x128xf32, #tpu.memory_space<vmem>>) target(%dma_start3A_10 : memref<128x128xf32, #tpu.memory_space<vmem_shared>>) target_semaphore(%arg19 : memref<!tpu.dma_semaphore, #tpu.memory_space<semaphore_mem>>)
    %mul3A_14 = arith.constant 632 : i32
    %mul3A_15 = arith.muli %arg1, %mul3A_14 : i32
    %add3A_16 = arith.constant 128 : i32
    %add3A_17 = arith.addi %mul3A_15, %add3A_16 : i32
    %dma_start3A_18 = arith.constant 0 : i32
    %dma_start3A_19 = arith.constant 0 : i32
    %dma_start3A_20 = tpu.memref_slice %arg16[%dma_start3A_18, %dma_start3A_19] : memref<128x128xf32, #tpu.memory_space<vmem>> -> memref<128x128xf32, #tpu.memory_space<vmem>>
    %dma_start3A_21 = arith.constant 0 : i32
    %dma_start3A_22 = tpu.memref_slice %arg25[%add3A_17, %dma_start3A_21] : memref<10112x128xf32, #tpu.memory_space<vmem_shared>> -> memref<128x128xf32, #tpu.memory_space<vmem_shared>>
    %dma_start3A_23 = arith.constant 0 : i32
    %dma_start3A_24 = tpu.memref_slice %arg25[%add3A_17, %dma_start3A_23] : memref<10112x128xf32, #tpu.memory_space<vmem_shared>> -> memref<128x128xf32, #tpu.memory_space<vmem_shared>>
    %dma_start3A_25 = arith.constant 0 : i32
    %dma_start3A_26 = arith.constant 0 : i32
    %dma_start3A_27 = tpu.memref_slice %arg16[%dma_start3A_25, %dma_start3A_26] : memref<128x128xf32, #tpu.memory_space<vmem>> -> memref<128x128xf32, #tpu.memory_space<vmem>>
    tpu.enqueue_dma source(%dma_start3A_27 : memref<128x128xf32, #tpu.memory_space<vmem>>) target(%dma_start3A_24 : memref<128x128xf32, #tpu.memory_space<vmem_shared>>) target_semaphore(%arg20 : memref<!tpu.dma_semaphore, #tpu.memory_space<semaphore_mem>>)
    %mul3A_28 = arith.constant 632 : i32
    %mul3A_29 = arith.muli %arg1, %mul3A_28 : i32
    %add3A_30 = arith.constant 256 : i32
    %add3A_31 = arith.addi %mul3A_29, %add3A_30 : i32
    %dma_start3A_32 = arith.constant 0 : i32
    %dma_start3A_33 = arith.constant 0 : i32
    %dma_start3A_34 = tpu.memref_slice %arg16[%dma_start3A_32, %dma_start3A_33] : memref<128x128xf32, #tpu.memory_space<vmem>> -> memref<128x128xf32, #tpu.memory_space<vmem>>
    %dma_start3A_35 = arith.constant 0 : i32
    %dma_start3A_36 = tpu.memref_slice %arg25[%add3A_31, %dma_start3A_35] : memref<10112x128xf32, #tpu.memory_space<vmem_shared>> -> memref<128x128xf32, #tpu.memory_space<vmem_shared>>
    %dma_start3A_37 = arith.constant 0 : i32
    %dma_start3A_38 = tpu.memref_slice %arg25[%add3A_31, %dma_start3A_37] : memref<10112x128xf32, #tpu.memory_space<vmem_shared>> -> memref<128x128xf32, #tpu.memory_space<vmem_shared>>
    %dma_start3A_39 = arith.constant 0 : i32
    %dma_start3A_40 = arith.constant 0 : i32
    %dma_start3A_41 = tpu.memref_slice %arg16[%dma_start3A_39, %dma_start3A_40] : memref<128x128xf32, #tpu.memory_space<vmem>> -> memref<128x128xf32, #tpu.memory_space<vmem>>
    tpu.enqueue_dma source(%dma_start3A_41 : memref<128x128xf32, #tpu.memory_space<vmem>>) target(%dma_start3A_38 : memref<128x128xf32, #tpu.memory_space<vmem_shared>>) target_semaphore(%arg21 : memref<!tpu.dma_semaphore, #tpu.memory_space<semaphore_mem>>)
    %mul3A_42 = arith.constant 632 : i32
    %mul3A_43 = arith.muli %arg1, %mul3A_42 : i32
    %add3A_44 = arith.constant 384 : i32
    %add3A_45 = arith.addi %mul3A_43, %add3A_44 : i32
    %dma_start3A_46 = arith.constant 0 : i32
    %dma_start3A_47 = arith.constant 0 : i32
    %dma_start3A_48 = tpu.memref_slice %arg16[%dma_start3A_46, %dma_start3A_47] : memref<128x128xf32, #tpu.memory_space<vmem>> -> memref<128x128xf32, #tpu.memory_space<vmem>>
    %dma_start3A_49 = arith.constant 0 : i32
    %dma_start3A_50 = tpu.memref_slice %arg25[%add3A_45, %dma_start3A_49] : memref<10112x128xf32, #tpu.memory_space<vmem_shared>> -> memref<128x128xf32, #tpu.memory_space<vmem_shared>>
    %dma_start3A_51 = arith.constant 0 : i32
    %dma_start3A_52 = tpu.memref_slice %arg25[%add3A_45, %dma_start3A_51] : memref<10112x128xf32, #tpu.memory_space<vmem_shared>> -> memref<128x128xf32, #tpu.memory_space<vmem_shared>>
    %dma_start3A_53 = arith.constant 0 : i32
    %dma_start3A_54 = arith.constant 0 : i32
    %dma_start3A_55 = tpu.memref_slice %arg16[%dma_start3A_53, %dma_start3A_54] : memref<128x128xf32, #tpu.memory_space<vmem>> -> memref<128x128xf32, #tpu.memory_space<vmem>>
    tpu.enqueue_dma source(%dma_start3A_55 : memref<128x128xf32, #tpu.memory_space<vmem>>) target(%dma_start3A_52 : memref<128x128xf32, #tpu.memory_space<vmem_shared>>) target_semaphore(%arg19 : memref<!tpu.dma_semaphore, #tpu.memory_space<semaphore_mem>>)
    %mul3A_56 = arith.constant 632 : i32
    %mul3A_57 = arith.muli %arg1, %mul3A_56 : i32
    %add3A_58 = arith.constant 512 : i32
    %add3A_59 = arith.addi %mul3A_57, %add3A_58 : i32
    %dma_start3A_60 = arith.constant 0 : i32
    %dma_start3A_61 = arith.constant 0 : i32
    %dma_start3A_62 = tpu.memref_slice %arg16[%dma_start3A_60, %dma_start3A_61] : memref<128x128xf32, #tpu.memory_space<vmem>> -> memref<120x128xf32, #tpu.memory_space<vmem>>
    %dma_start3A_63 = arith.constant 0 : i32
    %dma_start3A_64 = tpu.memref_slice %arg25[%add3A_59, %dma_start3A_63] : memref<10112x128xf32, #tpu.memory_space<vmem_shared>> -> memref<120x128xf32, #tpu.memory_space<vmem_shared>>
    %dma_start3A_65 = arith.constant 0 : i32
    %dma_start3A_66 = tpu.memref_slice %arg25[%add3A_59, %dma_start3A_65] : memref<10112x128xf32, #tpu.memory_space<vmem_shared>> -> memref<120x128xf32, #tpu.memory_space<vmem_shared>>
    %dma_start3A_67 = arith.constant 0 : i32
    %dma_start3A_68 = arith.constant 0 : i32
    %dma_start3A_69 = tpu.memref_slice %arg16[%dma_start3A_67, %dma_start3A_68] : memref<128x128xf32, #tpu.memory_space<vmem>> -> memref<120x128xf32, #tpu.memory_space<vmem>>
    tpu.enqueue_dma source(%dma_start3A_69 : memref<120x128xf32, #tpu.memory_space<vmem>>) target(%dma_start3A_66 : memref<120x128xf32, #tpu.memory_space<vmem_shared>>) target_semaphore(%arg20 : memref<!tpu.dma_semaphore, #tpu.memory_space<semaphore_mem>>)
    %dma_wait3A = arith.constant 0 : i32
    %dma_wait3A_70 = arith.constant 0 : i32
    %dma_wait3A_71 = tpu.memref_slice %arg16[%dma_wait3A, %dma_wait3A_70] : memref<128x128xf32, #tpu.memory_space<vmem>> -> memref<128x128xf32, #tpu.memory_space<vmem>>
    %dma_wait3A_72 = arith.constant 0 : i32
    %dma_wait3A_73 = tpu.memref_slice %arg25[%add3A_4, %dma_wait3A_72] : memref<10112x128xf32, #tpu.memory_space<vmem_shared>> -> memref<128x128xf32, #tpu.memory_space<vmem_shared>>
    %dma_wait3A_74 = arith.constant 0 : i32
    %dma_wait3A_75 = tpu.memref_slice %arg25[%add3A_4, %dma_wait3A_74] : memref<10112x128xf32, #tpu.memory_space<vmem_shared>> -> memref<128x128xf32, #tpu.memory_space<vmem_shared>>
    %dma_wait3A_76 = arith.constant 0 : i32
    %dma_wait3A_77 = arith.constant 0 : i32
    %dma_wait3A_78 = tpu.memref_slice %arg16[%dma_wait3A_76, %dma_wait3A_77] : memref<128x128xf32, #tpu.memory_space<vmem>> -> memref<128x128xf32, #tpu.memory_space<vmem>>
    tpu.wait_dma2 semaphore(%arg19 : memref<!tpu.dma_semaphore, #tpu.memory_space<semaphore_mem>>) src(%dma_wait3A_78 : memref<128x128xf32, #tpu.memory_space<vmem>>) dst(%dma_wait3A_75 : memref<128x128xf32, #tpu.memory_space<vmem_shared>>)
    %dma_wait3A_79 = arith.constant 0 : i32
    %dma_wait3A_80 = arith.constant 0 : i32
    %dma_wait3A_81 = tpu.memref_slice %arg16[%dma_wait3A_79, %dma_wait3A_80] : memref<128x128xf32, #tpu.memory_space<vmem>> -> memref<128x128xf32, #tpu.memory_space<vmem>>
    %dma_wait3A_82 = arith.constant 0 : i32
    %dma_wait3A_83 = tpu.memref_slice %arg25[%add3A_17, %dma_wait3A_82] : memref<10112x128xf32, #tpu.memory_space<vmem_shared>> -> memref<128x128xf32, #tpu.memory_space<vmem_shared>>
    %dma_wait3A_84 = arith.constant 0 : i32
    %dma_wait3A_85 = tpu.memref_slice %arg25[%add3A_17, %dma_wait3A_84] : memref<10112x128xf32, #tpu.memory_space<vmem_shared>> -> memref<128x128xf32, #tpu.memory_space<vmem_shared>>
    %dma_wait3A_86 = arith.constant 0 : i32
    %dma_wait3A_87 = arith.constant 0 : i32
    %dma_wait3A_88 = tpu.memref_slice %arg16[%dma_wait3A_86, %dma_wait3A_87] : memref<128x128xf32, #tpu.memory_space<vmem>> -> memref<128x128xf32, #tpu.memory_space<vmem>>
    tpu.wait_dma2 semaphore(%arg20 : memref<!tpu.dma_semaphore, #tpu.memory_space<semaphore_mem>>) src(%dma_wait3A_88 : memref<128x128xf32, #tpu.memory_space<vmem>>) dst(%dma_wait3A_85 : memref<128x128xf32, #tpu.memory_space<vmem_shared>>)
    %dma_wait3A_89 = arith.constant 0 : i32
    %dma_wait3A_90 = arith.constant 0 : i32
    %dma_wait3A_91 = tpu.memref_slice %arg16[%dma_wait3A_89, %dma_wait3A_90] : memref<128x128xf32, #tpu.memory_space<vmem>> -> memref<128x128xf32, #tpu.memory_space<vmem>>
    %dma_wait3A_92 = arith.constant 0 : i32
    %dma_wait3A_93 = tpu.memref_slice %arg25[%add3A_31, %dma_wait3A_92] : memref<10112x128xf32, #tpu.memory_space<vmem_shared>> -> memref<128x128xf32, #tpu.memory_space<vmem_shared>>
    %dma_wait3A_94 = arith.constant 0 : i32
    %dma_wait3A_95 = tpu.memref_slice %arg25[%add3A_31, %dma_wait3A_94] : memref<10112x128xf32, #tpu.memory_space<vmem_shared>> -> memref<128x128xf32, #tpu.memory_space<vmem_shared>>
    %dma_wait3A_96 = arith.constant 0 : i32
    %dma_wait3A_97 = arith.constant 0 : i32
    %dma_wait3A_98 = tpu.memref_slice %arg16[%dma_wait3A_96, %dma_wait3A_97] : memref<128x128xf32, #tpu.memory_space<vmem>> -> memref<128x128xf32, #tpu.memory_space<vmem>>
    tpu.wait_dma2 semaphore(%arg21 : memref<!tpu.dma_semaphore, #tpu.memory_space<semaphore_mem>>) src(%dma_wait3A_98 : memref<128x128xf32, #tpu.memory_space<vmem>>) dst(%dma_wait3A_95 : memref<128x128xf32, #tpu.memory_space<vmem_shared>>)
    %dma_wait3A_99 = arith.constant 0 : i32
    %dma_wait3A_100 = arith.constant 0 : i32
    %dma_wait3A_101 = tpu.memref_slice %arg16[%dma_wait3A_99, %dma_wait3A_100] : memref<128x128xf32, #tpu.memory_space<vmem>> -> memref<128x128xf32, #tpu.memory_space<vmem>>
    %dma_wait3A_102 = arith.constant 0 : i32
    %dma_wait3A_103 = tpu.memref_slice %arg25[%add3A_45, %dma_wait3A_102] : memref<10112x128xf32, #tpu.memory_space<vmem_shared>> -> memref<128x128xf32, #tpu.memory_space<vmem_shared>>
    %dma_wait3A_104 = arith.constant 0 : i32
    %dma_wait3A_105 = tpu.memref_slice %arg25[%add3A_45, %dma_wait3A_104] : memref<10112x128xf32, #tpu.memory_space<vmem_shared>> -> memref<128x128xf32, #tpu.memory_space<vmem_shared>>
    %dma_wait3A_106 = arith.constant 0 : i32
    %dma_wait3A_107 = arith.constant 0 : i32
    %dma_wait3A_108 = tpu.memref_slice %arg16[%dma_wait3A_106, %dma_wait3A_107] : memref<128x128xf32, #tpu.memory_space<vmem>> -> memref<128x128xf32, #tpu.memory_space<vmem>>
    tpu.wait_dma2 semaphore(%arg19 : memref<!tpu.dma_semaphore, #tpu.memory_space<semaphore_mem>>) src(%dma_wait3A_108 : memref<128x128xf32, #tpu.memory_space<vmem>>) dst(%dma_wait3A_105 : memref<128x128xf32, #tpu.memory_space<vmem_shared>>)
    %dma_wait3A_109 = arith.constant 0 : i32
    %dma_wait3A_110 = arith.constant 0 : i32
    %dma_wait3A_111 = tpu.memref_slice %arg16[%dma_wait3A_109, %dma_wait3A_110] : memref<128x128xf32, #tpu.memory_space<vmem>> -> memref<120x128xf32, #tpu.memory_space<vmem>>
    %dma_wait3A_112 = arith.constant 0 : i32
    %dma_wait3A_113 = tpu.memref_slice %arg25[%add3A_59, %dma_wait3A_112] : memref<10112x128xf32, #tpu.memory_space<vmem_shared>> -> memref<120x128xf32, #tpu.memory_space<vmem_shared>>
    %dma_wait3A_114 = arith.constant 0 : i32
    %dma_wait3A_115 = tpu.memref_slice %arg25[%add3A_59, %dma_wait3A_114] : memref<10112x128xf32, #tpu.memory_space<vmem_shared>> -> memref<120x128xf32, #tpu.memory_space<vmem_shared>>
    %dma_wait3A_116 = arith.constant 0 : i32
    %dma_wait3A_117 = arith.constant 0 : i32
    %dma_wait3A_118 = tpu.memref_slice %arg16[%dma_wait3A_116, %dma_wait3A_117] : memref<128x128xf32, #tpu.memory_space<vmem>> -> memref<120x128xf32, #tpu.memory_space<vmem>>
    tpu.wait_dma2 semaphore(%arg20 : memref<!tpu.dma_semaphore, #tpu.memory_space<semaphore_mem>>) src(%dma_wait3A_118 : memref<120x128xf32, #tpu.memory_space<vmem>>) dst(%dma_wait3A_115 : memref<120x128xf32, #tpu.memory_space<vmem_shared>>)
    %barrier3A = arith.constant 0 : index
    tpu.barrier barrier_id(%barrier3A)
    %mul3A_119 = arith.constant 10000 : i32
    %mul3A_120 = arith.muli %add3A, %mul3A_119 : i32
    %scan3A = arith.constant 0 : i32
    %scan3A_121 = arith.constant 0 : i32
    %scan3A_122 = arith.constant 26 : i32
    %scan3A_123 = arith.addi %scan3A_121, %scan3A_122 : i32
    %scan3A_124 = arith.constant 1 : i32
    scf.for %scan3A_310 = %scan3A_121 to %scan3A_123 step %scan3A_124  : i32 {
      %mul3A_311 = arith.constant 3 : i32
      %mul3A_312 = arith.muli %scan3A_310, %mul3A_311 : i32
      %add3A_313 = arith.constant 0 : i32
      %add3A_314 = arith.addi %mul3A_312, %add3A_313 : i32
      %mul3A_315 = arith.constant 128 : i32
      %mul3A_316 = arith.muli %add3A_314, %mul3A_315 : i32
      %add3A_317 = arith.addi %mul3A_120, %mul3A_316 : i32
      %gt3A = arith.constant 0 : i32
      %gt3A_318 = arith.cmpi sgt, %scan3A_310, %gt3A : i32
      %convert_element_type3A = arith.extui %gt3A_318 : i1 to i32
      %cond3A = arith.constant 0 : i32
      %cond3A_319 = arith.cmpi ne, %convert_element_type3A, %cond3A : i32
      scf.if %cond3A_319 {
        %dma_wait3A_644 = arith.constant 0 : i32
        %dma_wait3A_645 = arith.constant 0 : i32
        %dma_wait3A_646 = tpu.memref_slice %arg25[%dma_wait3A_644, %dma_wait3A_645] : memref<10112x128xf32, #tpu.memory_space<vmem_shared>> -> memref<10112x128xf32, #tpu.memory_space<vmem_shared>>
        tpu.wait_indirect_dma semaphore(%arg22 : memref<!tpu.dma_semaphore, #tpu.memory_space<semaphore_mem>>) src(%arg16 : memref<128x128xf32, #tpu.memory_space<vmem>>) dst(%dma_wait3A_646 : memref<10112x128xf32, #tpu.memory_space<vmem_shared>>)
      } else {
      }
      "tpu.region"() ({
        %run_scoped3A = tpu.sem_alloc : memref<!tpu.dma_semaphore, #tpu.memory_space<semaphore_mem>>
        %dma_start3A_644 = tpu.memref_slice %arg2[%add3A_317] : memref<320000xi32, #tpu.memory_space<hbm>> -> memref<128xi32, #tpu.memory_space<hbm>>
        %dma_start3A_645 = tpu.memref_slice %arg2[%add3A_317] : memref<320000xi32, #tpu.memory_space<hbm>> -> memref<128xi32, #tpu.memory_space<hbm>>
        tpu.enqueue_dma source(%dma_start3A_645 : memref<128xi32, #tpu.memory_space<hbm>>) target(%arg8 : memref<128xi32, #tpu.memory_space<vmem>>) target_semaphore(%run_scoped3A : memref<!tpu.dma_semaphore, #tpu.memory_space<semaphore_mem>>)
        %dma_wait3A_646 = tpu.memref_slice %arg2[%add3A_317] : memref<320000xi32, #tpu.memory_space<hbm>> -> memref<128xi32, #tpu.memory_space<hbm>>
        %dma_wait3A_647 = tpu.memref_slice %arg2[%add3A_317] : memref<320000xi32, #tpu.memory_space<hbm>> -> memref<128xi32, #tpu.memory_space<hbm>>
        tpu.wait_dma2 semaphore(%run_scoped3A : memref<!tpu.dma_semaphore, #tpu.memory_space<semaphore_mem>>) src(%dma_wait3A_647 : memref<128xi32, #tpu.memory_space<hbm>>) dst(%arg8 : memref<128xi32, #tpu.memory_space<vmem>>)
        tpu.yield
      }) : () -> ()
      %dma_start3A_320 = arith.constant 0 : i32
      %dma_start3A_321 = tpu.memref_slice %arg4[%dma_start3A_320] : memref<12048xi32, #tpu.memory_space<hbm>> -> memref<12048xi32, #tpu.memory_space<hbm>>
      tpu.enqueue_indirect_dma source(%dma_start3A_321 : memref<12048xi32, #tpu.memory_space<hbm>>) target(%arg11 : memref<128xi32, #tpu.memory_space<vmem>>) offsets(%arg8 : memref<128xi32, #tpu.memory_space<vmem>>) semaphore(%arg19 : memref<!tpu.dma_semaphore, #tpu.memory_space<semaphore_mem>>)
      %mul3A_322 = arith.constant 3 : i32
      %mul3A_323 = arith.muli %scan3A_310, %mul3A_322 : i32
      %add3A_324 = arith.constant 1 : i32
      %add3A_325 = arith.addi %mul3A_323, %add3A_324 : i32
      %mul3A_326 = arith.constant 128 : i32
      %mul3A_327 = arith.muli %add3A_325, %mul3A_326 : i32
      %add3A_328 = arith.addi %mul3A_120, %mul3A_327 : i32
      %gt3A_329 = arith.constant 0 : i32
      %gt3A_330 = arith.cmpi sgt, %scan3A_310, %gt3A_329 : i32
      %convert_element_type3A_331 = arith.extui %gt3A_330 : i1 to i32
      %cond3A_332 = arith.constant 0 : i32
      %cond3A_333 = arith.cmpi ne, %convert_element_type3A_331, %cond3A_332 : i32
      scf.if %cond3A_333 {
        %dma_wait3A_644 = arith.constant 0 : i32
        %dma_wait3A_645 = arith.constant 0 : i32
        %dma_wait3A_646 = tpu.memref_slice %arg25[%dma_wait3A_644, %dma_wait3A_645] : memref<10112x128xf32, #tpu.memory_space<vmem_shared>> -> memref<10112x128xf32, #tpu.memory_space<vmem_shared>>
        tpu.wait_indirect_dma semaphore(%arg23 : memref<!tpu.dma_semaphore, #tpu.memory_space<semaphore_mem>>) src(%arg17 : memref<128x128xf32, #tpu.memory_space<vmem>>) dst(%dma_wait3A_646 : memref<10112x128xf32, #tpu.memory_space<vmem_shared>>)
      } else {
      }
      "tpu.region"() ({
        %run_scoped3A = tpu.sem_alloc : memref<!tpu.dma_semaphore, #tpu.memory_space<semaphore_mem>>
        %dma_start3A_644 = tpu.memref_slice %arg2[%add3A_328] : memref<320000xi32, #tpu.memory_space<hbm>> -> memref<128xi32, #tpu.memory_space<hbm>>
        %dma_start3A_645 = tpu.memref_slice %arg2[%add3A_328] : memref<320000xi32, #tpu.memory_space<hbm>> -> memref<128xi32, #tpu.memory_space<hbm>>
        tpu.enqueue_dma source(%dma_start3A_645 : memref<128xi32, #tpu.memory_space<hbm>>) target(%arg9 : memref<128xi32, #tpu.memory_space<vmem>>) target_semaphore(%run_scoped3A : memref<!tpu.dma_semaphore, #tpu.memory_space<semaphore_mem>>)
        %dma_wait3A_646 = tpu.memref_slice %arg2[%add3A_328] : memref<320000xi32, #tpu.memory_space<hbm>> -> memref<128xi32, #tpu.memory_space<hbm>>
        %dma_wait3A_647 = tpu.memref_slice %arg2[%add3A_328] : memref<320000xi32, #tpu.memory_space<hbm>> -> memref<128xi32, #tpu.memory_space<hbm>>
        tpu.wait_dma2 semaphore(%run_scoped3A : memref<!tpu.dma_semaphore, #tpu.memory_space<semaphore_mem>>) src(%dma_wait3A_647 : memref<128xi32, #tpu.memory_space<hbm>>) dst(%arg9 : memref<128xi32, #tpu.memory_space<vmem>>)
        tpu.yield
      }) : () -> ()
      %dma_start3A_334 = arith.constant 0 : i32
      %dma_start3A_335 = tpu.memref_slice %arg4[%dma_start3A_334] : memref<12048xi32, #tpu.memory_space<hbm>> -> memref<12048xi32, #tpu.memory_space<hbm>>
      tpu.enqueue_indirect_dma source(%dma_start3A_335 : memref<12048xi32, #tpu.memory_space<hbm>>) target(%arg12 : memref<128xi32, #tpu.memory_space<vmem>>) offsets(%arg9 : memref<128xi32, #tpu.memory_space<vmem>>) semaphore(%arg20 : memref<!tpu.dma_semaphore, #tpu.memory_space<semaphore_mem>>)
      %mul3A_336 = arith.constant 3 : i32
      %mul3A_337 = arith.muli %scan3A_310, %mul3A_336 : i32
      %add3A_338 = arith.constant 2 : i32
      %add3A_339 = arith.addi %mul3A_337, %add3A_338 : i32
      %mul3A_340 = arith.constant 128 : i32
      %mul3A_341 = arith.muli %add3A_339, %mul3A_340 : i32
      %add3A_342 = arith.addi %mul3A_120, %mul3A_341 : i32
      %gt3A_343 = arith.constant 0 : i32
      %gt3A_344 = arith.cmpi sgt, %scan3A_310, %gt3A_343 : i32
      %convert_element_type3A_345 = arith.extui %gt3A_344 : i1 to i32
      %cond3A_346 = arith.constant 0 : i32
      %cond3A_347 = arith.cmpi ne, %convert_element_type3A_345, %cond3A_346 : i32
      scf.if %cond3A_347 {
        %dma_wait3A_644 = arith.constant 0 : i32
        %dma_wait3A_645 = arith.constant 0 : i32
        %dma_wait3A_646 = tpu.memref_slice %arg25[%dma_wait3A_644, %dma_wait3A_645] : memref<10112x128xf32, #tpu.memory_space<vmem_shared>> -> memref<10112x128xf32, #tpu.memory_space<vmem_shared>>
        tpu.wait_indirect_dma semaphore(%arg24 : memref<!tpu.dma_semaphore, #tpu.memory_space<semaphore_mem>>) src(%arg18 : memref<128x128xf32, #tpu.memory_space<vmem>>) dst(%dma_wait3A_646 : memref<10112x128xf32, #tpu.memory_space<vmem_shared>>)
      } else {
      }
      "tpu.region"() ({
        %run_scoped3A = tpu.sem_alloc : memref<!tpu.dma_semaphore, #tpu.memory_space<semaphore_mem>>
        %dma_start3A_644 = tpu.memref_slice %arg2[%add3A_342] : memref<320000xi32, #tpu.memory_space<hbm>> -> memref<128xi32, #tpu.memory_space<hbm>>
        %dma_start3A_645 = tpu.memref_slice %arg2[%add3A_342] : memref<320000xi32, #tpu.memory_space<hbm>> -> memref<128xi32, #tpu.memory_space<hbm>>
        tpu.enqueue_dma source(%dma_start3A_645 : memref<128xi32, #tpu.memory_space<hbm>>) target(%arg10 : memref<128xi32, #tpu.memory_space<vmem>>) target_semaphore(%run_scoped3A : memref<!tpu.dma_semaphore, #tpu.memory_space<semaphore_mem>>)
        %dma_wait3A_646 = tpu.memref_slice %arg2[%add3A_342] : memref<320000xi32, #tpu.memory_space<hbm>> -> memref<128xi32, #tpu.memory_space<hbm>>
        %dma_wait3A_647 = tpu.memref_slice %arg2[%add3A_342] : memref<320000xi32, #tpu.memory_space<hbm>> -> memref<128xi32, #tpu.memory_space<hbm>>
        tpu.wait_dma2 semaphore(%run_scoped3A : memref<!tpu.dma_semaphore, #tpu.memory_space<semaphore_mem>>) src(%dma_wait3A_647 : memref<128xi32, #tpu.memory_space<hbm>>) dst(%arg10 : memref<128xi32, #tpu.memory_space<vmem>>)
        tpu.yield
      }) : () -> ()
      %dma_start3A_348 = arith.constant 0 : i32
      %dma_start3A_349 = tpu.memref_slice %arg4[%dma_start3A_348] : memref<12048xi32, #tpu.memory_space<hbm>> -> memref<12048xi32, #tpu.memory_space<hbm>>
      tpu.enqueue_indirect_dma source(%dma_start3A_349 : memref<12048xi32, #tpu.memory_space<hbm>>) target(%arg13 : memref<128xi32, #tpu.memory_space<vmem>>) offsets(%arg10 : memref<128xi32, #tpu.memory_space<vmem>>) semaphore(%arg21 : memref<!tpu.dma_semaphore, #tpu.memory_space<semaphore_mem>>)
      %mul3A_350 = arith.constant 3 : i32
      %mul3A_351 = arith.muli %scan3A_310, %mul3A_350 : i32
      %add3A_352 = arith.constant 0 : i32
      %add3A_353 = arith.addi %mul3A_351, %add3A_352 : i32
      %mul3A_354 = arith.constant 128 : i32
      %mul3A_355 = arith.muli %add3A_353, %mul3A_354 : i32
      %add3A_356 = arith.addi %mul3A_120, %mul3A_355 : i32
      %dma_wait3A_357 = arith.constant 0 : i32
      %dma_wait3A_358 = tpu.memref_slice %arg4[%dma_wait3A_357] : memref<12048xi32, #tpu.memory_space<hbm>> -> memref<12048xi32, #tpu.memory_space<hbm>>
      tpu.wait_indirect_dma semaphore(%arg19 : memref<!tpu.dma_semaphore, #tpu.memory_space<semaphore_mem>>) src(%dma_wait3A_358 : memref<12048xi32, #tpu.memory_space<hbm>>) dst(%arg11 : memref<128xi32, #tpu.memory_space<vmem>>)
      "tpu.region"() ({
        %run_scoped3A = tpu.sem_alloc : memref<!tpu.dma_semaphore, #tpu.memory_space<semaphore_mem>>
        %dma_start3A_644 = tpu.memref_slice %arg3[%add3A_356] : memref<320000xi32, #tpu.memory_space<hbm>> -> memref<128xi32, #tpu.memory_space<hbm>>
        %dma_start3A_645 = tpu.memref_slice %arg3[%add3A_356] : memref<320000xi32, #tpu.memory_space<hbm>> -> memref<128xi32, #tpu.memory_space<hbm>>
        tpu.enqueue_dma source(%dma_start3A_645 : memref<128xi32, #tpu.memory_space<hbm>>) target(%arg8 : memref<128xi32, #tpu.memory_space<vmem>>) target_semaphore(%run_scoped3A : memref<!tpu.dma_semaphore, #tpu.memory_space<semaphore_mem>>)
        %dma_wait3A_646 = tpu.memref_slice %arg3[%add3A_356] : memref<320000xi32, #tpu.memory_space<hbm>> -> memref<128xi32, #tpu.memory_space<hbm>>
        %dma_wait3A_647 = tpu.memref_slice %arg3[%add3A_356] : memref<320000xi32, #tpu.memory_space<hbm>> -> memref<128xi32, #tpu.memory_space<hbm>>
        tpu.wait_dma2 semaphore(%run_scoped3A : memref<!tpu.dma_semaphore, #tpu.memory_space<semaphore_mem>>) src(%dma_wait3A_647 : memref<128xi32, #tpu.memory_space<hbm>>) dst(%arg8 : memref<128xi32, #tpu.memory_space<vmem>>)
        tpu.yield
      }) : () -> ()
      %get3A_359 = arith.constant 0 : index
      %get3A_360 = tpu.vector_load %arg8[%get3A_359] {strides = array<i32>} : memref<128xi32, #tpu.memory_space<vmem>>, vector<16xi32>,
      %get3A_361 = vector.shape_cast %get3A_360 : vector<16xi32> to vector<16xi32>
      %min3A_362 = arith.constant 10000 : i32
      %min3A_363 = vector.broadcast %min3A_362 : i32 to vector<16xi32>
      %min3A_364 = arith.minsi %get3A_361, %min3A_363 : vector<16xi32>
      %swap3A_365 = arith.constant 0 : index
      %swap3A_366 = tpu.vector_load %arg8[%swap3A_365] {strides = array<i32>} : memref<128xi32, #tpu.memory_space<vmem>>, vector<16xi32>,
      %swap3A_367 = vector.shape_cast %swap3A_366 : vector<16xi32> to vector<16xi32>
      %swap3A_368 = vector.shape_cast %min3A_364 : vector<16xi32> to vector<16xi32>
      tpu.vector_store %arg8[%swap3A_365], %swap3A_368 {strides = array<i32>} : memref<128xi32, #tpu.memory_space<vmem>>, vector<16xi32>,
      %get3A_369 = arith.constant 16 : index
      %get3A_370 = tpu.vector_load %arg8[%get3A_369] {strides = array<i32>} : memref<128xi32, #tpu.memory_space<vmem>>, vector<16xi32>,
      %get3A_371 = vector.shape_cast %get3A_370 : vector<16xi32> to vector<16xi32>
      %min3A_372 = arith.constant 10000 : i32
      %min3A_373 = vector.broadcast %min3A_372 : i32 to vector<16xi32>
      %min3A_374 = arith.minsi %get3A_371, %min3A_373 : vector<16xi32>
      %swap3A_375 = arith.constant 16 : index
      %swap3A_376 = tpu.vector_load %arg8[%swap3A_375] {strides = array<i32>} : memref<128xi32, #tpu.memory_space<vmem>>, vector<16xi32>,
      %swap3A_377 = vector.shape_cast %swap3A_376 : vector<16xi32> to vector<16xi32>
      %swap3A_378 = vector.shape_cast %min3A_374 : vector<16xi32> to vector<16xi32>
      tpu.vector_store %arg8[%swap3A_375], %swap3A_378 {strides = array<i32>} : memref<128xi32, #tpu.memory_space<vmem>>, vector<16xi32>,
      %get3A_379 = arith.constant 32 : index
      %get3A_380 = tpu.vector_load %arg8[%get3A_379] {strides = array<i32>} : memref<128xi32, #tpu.memory_space<vmem>>, vector<16xi32>,
      %get3A_381 = vector.shape_cast %get3A_380 : vector<16xi32> to vector<16xi32>
      %min3A_382 = arith.constant 10000 : i32
      %min3A_383 = vector.broadcast %min3A_382 : i32 to vector<16xi32>
      %min3A_384 = arith.minsi %get3A_381, %min3A_383 : vector<16xi32>
      %swap3A_385 = arith.constant 32 : index
      %swap3A_386 = tpu.vector_load %arg8[%swap3A_385] {strides = array<i32>} : memref<128xi32, #tpu.memory_space<vmem>>, vector<16xi32>,
      %swap3A_387 = vector.shape_cast %swap3A_386 : vector<16xi32> to vector<16xi32>
      %swap3A_388 = vector.shape_cast %min3A_384 : vector<16xi32> to vector<16xi32>
      tpu.vector_store %arg8[%swap3A_385], %swap3A_388 {strides = array<i32>} : memref<128xi32, #tpu.memory_space<vmem>>, vector<16xi32>,
      %get3A_389 = arith.constant 48 : index
      %get3A_390 = tpu.vector_load %arg8[%get3A_389] {strides = array<i32>} : memref<128xi32, #tpu.memory_space<vmem>>, vector<16xi32>,
      %get3A_391 = vector.shape_cast %get3A_390 : vector<16xi32> to vector<16xi32>
      %min3A_392 = arith.constant 10000 : i32
      %min3A_393 = vector.broadcast %min3A_392 : i32 to vector<16xi32>
      %min3A_394 = arith.minsi %get3A_391, %min3A_393 : vector<16xi32>
      %swap3A_395 = arith.constant 48 : index
      %swap3A_396 = tpu.vector_load %arg8[%swap3A_395] {strides = array<i32>} : memref<128xi32, #tpu.memory_space<vmem>>, vector<16xi32>,
      %swap3A_397 = vector.shape_cast %swap3A_396 : vector<16xi32> to vector<16xi32>
      %swap3A_398 = vector.shape_cast %min3A_394 : vector<16xi32> to vector<16xi32>
      tpu.vector_store %arg8[%swap3A_395], %swap3A_398 {strides = array<i32>} : memref<128xi32, #tpu.memory_space<vmem>>, vector<16xi32>,
      %get3A_399 = arith.constant 64 : index
      %get3A_400 = tpu.vector_load %arg8[%get3A_399] {strides = array<i32>} : memref<128xi32, #tpu.memory_space<vmem>>, vector<16xi32>,
      %get3A_401 = vector.shape_cast %get3A_400 : vector<16xi32> to vector<16xi32>
      %min3A_402 = arith.constant 10000 : i32
      %min3A_403 = vector.broadcast %min3A_402 : i32 to vector<16xi32>
      %min3A_404 = arith.minsi %get3A_401, %min3A_403 : vector<16xi32>
      %swap3A_405 = arith.constant 64 : index
      %swap3A_406 = tpu.vector_load %arg8[%swap3A_405] {strides = array<i32>} : memref<128xi32, #tpu.memory_space<vmem>>, vector<16xi32>,
      %swap3A_407 = vector.shape_cast %swap3A_406 : vector<16xi32> to vector<16xi32>
      %swap3A_408 = vector.shape_cast %min3A_404 : vector<16xi32> to vector<16xi32>
      tpu.vector_store %arg8[%swap3A_405], %swap3A_408 {strides = array<i32>} : memref<128xi32, #tpu.memory_space<vmem>>, vector<16xi32>,
      %get3A_409 = arith.constant 80 : index
      %get3A_410 = tpu.vector_load %arg8[%get3A_409] {strides = array<i32>} : memref<128xi32, #tpu.memory_space<vmem>>, vector<16xi32>,
      %get3A_411 = vector.shape_cast %get3A_410 : vector<16xi32> to vector<16xi32>
      %min3A_412 = arith.constant 10000 : i32
      %min3A_413 = vector.broadcast %min3A_412 : i32 to vector<16xi32>
      %min3A_414 = arith.minsi %get3A_411, %min3A_413 : vector<16xi32>
      %swap3A_415 = arith.constant 80 : index
      %swap3A_416 = tpu.vector_load %arg8[%swap3A_415] {strides = array<i32>} : memref<128xi32, #tpu.memory_space<vmem>>, vector<16xi32>,
      %swap3A_417 = vector.shape_cast %swap3A_416 : vector<16xi32> to vector<16xi32>
      %swap3A_418 = vector.shape_cast %min3A_414 : vector<16xi32> to vector<16xi32>
      tpu.vector_store %arg8[%swap3A_415], %swap3A_418 {strides = array<i32>} : memref<128xi32, #tpu.memory_space<vmem>>, vector<16xi32>,
      %get3A_419 = arith.constant 96 : index
      %get3A_420 = tpu.vector_load %arg8[%get3A_419] {strides = array<i32>} : memref<128xi32, #tpu.memory_space<vmem>>, vector<16xi32>,
      %get3A_421 = vector.shape_cast %get3A_420 : vector<16xi32> to vector<16xi32>
      %min3A_422 = arith.constant 10000 : i32
      %min3A_423 = vector.broadcast %min3A_422 : i32 to vector<16xi32>
      %min3A_424 = arith.minsi %get3A_421, %min3A_423 : vector<16xi32>
      %swap3A_425 = arith.constant 96 : index
      %swap3A_426 = tpu.vector_load %arg8[%swap3A_425] {strides = array<i32>} : memref<128xi32, #tpu.memory_space<vmem>>, vector<16xi32>,
      %swap3A_427 = vector.shape_cast %swap3A_426 : vector<16xi32> to vector<16xi32>
      %swap3A_428 = vector.shape_cast %min3A_424 : vector<16xi32> to vector<16xi32>
      tpu.vector_store %arg8[%swap3A_425], %swap3A_428 {strides = array<i32>} : memref<128xi32, #tpu.memory_space<vmem>>, vector<16xi32>,
      %get3A_429 = arith.constant 112 : index
      %get3A_430 = tpu.vector_load %arg8[%get3A_429] {strides = array<i32>} : memref<128xi32, #tpu.memory_space<vmem>>, vector<16xi32>,
      %get3A_431 = vector.shape_cast %get3A_430 : vector<16xi32> to vector<16xi32>
      %min3A_432 = arith.constant 10000 : i32
      %min3A_433 = vector.broadcast %min3A_432 : i32 to vector<16xi32>
      %min3A_434 = arith.minsi %get3A_431, %min3A_433 : vector<16xi32>
      %swap3A_435 = arith.constant 112 : index
      %swap3A_436 = tpu.vector_load %arg8[%swap3A_435] {strides = array<i32>} : memref<128xi32, #tpu.memory_space<vmem>>, vector<16xi32>,
      %swap3A_437 = vector.shape_cast %swap3A_436 : vector<16xi32> to vector<16xi32>
      %swap3A_438 = vector.shape_cast %min3A_434 : vector<16xi32> to vector<16xi32>
      tpu.vector_store %arg8[%swap3A_435], %swap3A_438 {strides = array<i32>} : memref<128xi32, #tpu.memory_space<vmem>>, vector<16xi32>,
      %dma_start3A_439 = arith.constant 0 : i32
      %dma_start3A_440 = arith.constant 0 : i32
      %dma_start3A_441 = tpu.memref_slice %arg5[%dma_start3A_439, %dma_start3A_440] : memref<10000x128xf32, #tpu.memory_space<hbm>> -> memref<10000x128xf32, #tpu.memory_space<hbm>>
      tpu.enqueue_indirect_dma source(%dma_start3A_441 : memref<10000x128xf32, #tpu.memory_space<hbm>>) target(%arg16 : memref<128x128xf32, #tpu.memory_space<vmem>>) offsets(%arg11 : memref<128xi32, #tpu.memory_space<vmem>>) semaphore(%arg19 : memref<!tpu.dma_semaphore, #tpu.memory_space<semaphore_mem>>)
      %mul3A_442 = arith.constant 3 : i32
      %mul3A_443 = arith.muli %scan3A_310, %mul3A_442 : i32
      %add3A_444 = arith.constant 1 : i32
      %add3A_445 = arith.addi %mul3A_443, %add3A_444 : i32
      %mul3A_446 = arith.constant 128 : i32
      %mul3A_447 = arith.muli %add3A_445, %mul3A_446 : i32
      %add3A_448 = arith.addi %mul3A_120, %mul3A_447 : i32
      %dma_wait3A_449 = arith.constant 0 : i32
      %dma_wait3A_450 = tpu.memref_slice %arg4[%dma_wait3A_449] : memref<12048xi32, #tpu.memory_space<hbm>> -> memref<12048xi32, #tpu.memory_space<hbm>>
      tpu.wait_indirect_dma semaphore(%arg20 : memref<!tpu.dma_semaphore, #tpu.memory_space<semaphore_mem>>) src(%dma_wait3A_450 : memref<12048xi32, #tpu.memory_space<hbm>>) dst(%arg12 : memref<128xi32, #tpu.memory_space<vmem>>)
      "tpu.region"() ({
        %run_scoped3A = tpu.sem_alloc : memref<!tpu.dma_semaphore, #tpu.memory_space<semaphore_mem>>
        %dma_start3A_644 = tpu.memref_slice %arg3[%add3A_448] : memref<320000xi32, #tpu.memory_space<hbm>> -> memref<128xi32, #tpu.memory_space<hbm>>
        %dma_start3A_645 = tpu.memref_slice %arg3[%add3A_448] : memref<320000xi32, #tpu.memory_space<hbm>> -> memref<128xi32, #tpu.memory_space<hbm>>
        tpu.enqueue_dma source(%dma_start3A_645 : memref<128xi32, #tpu.memory_space<hbm>>) target(%arg9 : memref<128xi32, #tpu.memory_space<vmem>>) target_semaphore(%run_scoped3A : memref<!tpu.dma_semaphore, #tpu.memory_space<semaphore_mem>>)
        %dma_wait3A_646 = tpu.memref_slice %arg3[%add3A_448] : memref<320000xi32, #tpu.memory_space<hbm>> -> memref<128xi32, #tpu.memory_space<hbm>>
        %dma_wait3A_647 = tpu.memref_slice %arg3[%add3A_448] : memref<320000xi32, #tpu.memory_space<hbm>> -> memref<128xi32, #tpu.memory_space<hbm>>
        tpu.wait_dma2 semaphore(%run_scoped3A : memref<!tpu.dma_semaphore, #tpu.memory_space<semaphore_mem>>) src(%dma_wait3A_647 : memref<128xi32, #tpu.memory_space<hbm>>) dst(%arg9 : memref<128xi32, #tpu.memory_space<vmem>>)
        tpu.yield
      }) : () -> ()
      %get3A_451 = arith.constant 0 : index
      %get3A_452 = tpu.vector_load %arg9[%get3A_451] {strides = array<i32>} : memref<128xi32, #tpu.memory_space<vmem>>, vector<16xi32>,
      %get3A_453 = vector.shape_cast %get3A_452 : vector<16xi32> to vector<16xi32>
      %min3A_454 = arith.constant 10000 : i32
      %min3A_455 = vector.broadcast %min3A_454 : i32 to vector<16xi32>
      %min3A_456 = arith.minsi %get3A_453, %min3A_455 : vector<16xi32>
      %swap3A_457 = arith.constant 0 : index
      %swap3A_458 = tpu.vector_load %arg9[%swap3A_457] {strides = array<i32>} : memref<128xi32, #tpu.memory_space<vmem>>, vector<16xi32>,
      %swap3A_459 = vector.shape_cast %swap3A_458 : vector<16xi32> to vector<16xi32>
      %swap3A_460 = vector.shape_cast %min3A_456 : vector<16xi32> to vector<16xi32>
      tpu.vector_store %arg9[%swap3A_457], %swap3A_460 {strides = array<i32>} : memref<128xi32, #tpu.memory_space<vmem>>, vector<16xi32>,
      %get3A_461 = arith.constant 16 : index
      %get3A_462 = tpu.vector_load %arg9[%get3A_461] {strides = array<i32>} : memref<128xi32, #tpu.memory_space<vmem>>, vector<16xi32>,
      %get3A_463 = vector.shape_cast %get3A_462 : vector<16xi32> to vector<16xi32>
      %min3A_464 = arith.constant 10000 : i32
      %min3A_465 = vector.broadcast %min3A_464 : i32 to vector<16xi32>
      %min3A_466 = arith.minsi %get3A_463, %min3A_465 : vector<16xi32>
      %swap3A_467 = arith.constant 16 : index
      %swap3A_468 = tpu.vector_load %arg9[%swap3A_467] {strides = array<i32>} : memref<128xi32, #tpu.memory_space<vmem>>, vector<16xi32>,
      %swap3A_469 = vector.shape_cast %swap3A_468 : vector<16xi32> to vector<16xi32>
      %swap3A_470 = vector.shape_cast %min3A_466 : vector<16xi32> to vector<16xi32>
      tpu.vector_store %arg9[%swap3A_467], %swap3A_470 {strides = array<i32>} : memref<128xi32, #tpu.memory_space<vmem>>, vector<16xi32>,
      %get3A_471 = arith.constant 32 : index
      %get3A_472 = tpu.vector_load %arg9[%get3A_471] {strides = array<i32>} : memref<128xi32, #tpu.memory_space<vmem>>, vector<16xi32>,
      %get3A_473 = vector.shape_cast %get3A_472 : vector<16xi32> to vector<16xi32>
      %min3A_474 = arith.constant 10000 : i32
      %min3A_475 = vector.broadcast %min3A_474 : i32 to vector<16xi32>
      %min3A_476 = arith.minsi %get3A_473, %min3A_475 : vector<16xi32>
      %swap3A_477 = arith.constant 32 : index
      %swap3A_478 = tpu.vector_load %arg9[%swap3A_477] {strides = array<i32>} : memref<128xi32, #tpu.memory_space<vmem>>, vector<16xi32>,
      %swap3A_479 = vector.shape_cast %swap3A_478 : vector<16xi32> to vector<16xi32>
      %swap3A_480 = vector.shape_cast %min3A_476 : vector<16xi32> to vector<16xi32>
      tpu.vector_store %arg9[%swap3A_477], %swap3A_480 {strides = array<i32>} : memref<128xi32, #tpu.memory_space<vmem>>, vector<16xi32>,
      %get3A_481 = arith.constant 48 : index
      %get3A_482 = tpu.vector_load %arg9[%get3A_481] {strides = array<i32>} : memref<128xi32, #tpu.memory_space<vmem>>, vector<16xi32>,
      %get3A_483 = vector.shape_cast %get3A_482 : vector<16xi32> to vector<16xi32>
      %min3A_484 = arith.constant 10000 : i32
      %min3A_485 = vector.broadcast %min3A_484 : i32 to vector<16xi32>
      %min3A_486 = arith.minsi %get3A_483, %min3A_485 : vector<16xi32>
      %swap3A_487 = arith.constant 48 : index
      %swap3A_488 = tpu.vector_load %arg9[%swap3A_487] {strides = array<i32>} : memref<128xi32, #tpu.memory_space<vmem>>, vector<16xi32>,
      %swap3A_489 = vector.shape_cast %swap3A_488 : vector<16xi32> to vector<16xi32>
      %swap3A_490 = vector.shape_cast %min3A_486 : vector<16xi32> to vector<16xi32>
      tpu.vector_store %arg9[%swap3A_487], %swap3A_490 {strides = array<i32>} : memref<128xi32, #tpu.memory_space<vmem>>, vector<16xi32>,
      %get3A_491 = arith.constant 64 : index
      %get3A_492 = tpu.vector_load %arg9[%get3A_491] {strides = array<i32>} : memref<128xi32, #tpu.memory_space<vmem>>, vector<16xi32>,
      %get3A_493 = vector.shape_cast %get3A_492 : vector<16xi32> to vector<16xi32>
      %min3A_494 = arith.constant 10000 : i32
      %min3A_495 = vector.broadcast %min3A_494 : i32 to vector<16xi32>
      %min3A_496 = arith.minsi %get3A_493, %min3A_495 : vector<16xi32>
      %swap3A_497 = arith.constant 64 : index
      %swap3A_498 = tpu.vector_load %arg9[%swap3A_497] {strides = array<i32>} : memref<128xi32, #tpu.memory_space<vmem>>, vector<16xi32>,
      %swap3A_499 = vector.shape_cast %swap3A_498 : vector<16xi32> to vector<16xi32>
      %swap3A_500 = vector.shape_cast %min3A_496 : vector<16xi32> to vector<16xi32>
      tpu.vector_store %arg9[%swap3A_497], %swap3A_500 {strides = array<i32>} : memref<128xi32, #tpu.memory_space<vmem>>, vector<16xi32>,
      %get3A_501 = arith.constant 80 : index
      %get3A_502 = tpu.vector_load %arg9[%get3A_501] {strides = array<i32>} : memref<128xi32, #tpu.memory_space<vmem>>, vector<16xi32>,
      %get3A_503 = vector.shape_cast %get3A_502 : vector<16xi32> to vector<16xi32>
      %min3A_504 = arith.constant 10000 : i32
      %min3A_505 = vector.broadcast %min3A_504 : i32 to vector<16xi32>
      %min3A_506 = arith.minsi %get3A_503, %min3A_505 : vector<16xi32>
      %swap3A_507 = arith.constant 80 : index
      %swap3A_508 = tpu.vector_load %arg9[%swap3A_507] {strides = array<i32>} : memref<128xi32, #tpu.memory_space<vmem>>, vector<16xi32>,
      %swap3A_509 = vector.shape_cast %swap3A_508 : vector<16xi32> to vector<16xi32>
      %swap3A_510 = vector.shape_cast %min3A_506 : vector<16xi32> to vector<16xi32>
      tpu.vector_store %arg9[%swap3A_507], %swap3A_510 {strides = array<i32>} : memref<128xi32, #tpu.memory_space<vmem>>, vector<16xi32>,
      %get3A_511 = arith.constant 96 : index
      %get3A_512 = tpu.vector_load %arg9[%get3A_511] {strides = array<i32>} : memref<128xi32, #tpu.memory_space<vmem>>, vector<16xi32>,
      %get3A_513 = vector.shape_cast %get3A_512 : vector<16xi32> to vector<16xi32>
      %min3A_514 = arith.constant 10000 : i32
      %min3A_515 = vector.broadcast %min3A_514 : i32 to vector<16xi32>
      %min3A_516 = arith.minsi %get3A_513, %min3A_515 : vector<16xi32>
      %swap3A_517 = arith.constant 96 : index
      %swap3A_518 = tpu.vector_load %arg9[%swap3A_517] {strides = array<i32>} : memref<128xi32, #tpu.memory_space<vmem>>, vector<16xi32>,
      %swap3A_519 = vector.shape_cast %swap3A_518 : vector<16xi32> to vector<16xi32>
      %swap3A_520 = vector.shape_cast %min3A_516 : vector<16xi32> to vector<16xi32>
      tpu.vector_store %arg9[%swap3A_517], %swap3A_520 {strides = array<i32>} : memref<128xi32, #tpu.memory_space<vmem>>, vector<16xi32>,
      %get3A_521 = arith.constant 112 : index
      %get3A_522 = tpu.vector_load %arg9[%get3A_521] {strides = array<i32>} : memref<128xi32, #tpu.memory_space<vmem>>, vector<16xi32>,
      %get3A_523 = vector.shape_cast %get3A_522 : vector<16xi32> to vector<16xi32>
      %min3A_524 = arith.constant 10000 : i32
      %min3A_525 = vector.broadcast %min3A_524 : i32 to vector<16xi32>
      %min3A_526 = arith.minsi %get3A_523, %min3A_525 : vector<16xi32>
      %swap3A_527 = arith.constant 112 : index
      %swap3A_528 = tpu.vector_load %arg9[%swap3A_527] {strides = array<i32>} : memref<128xi32, #tpu.memory_space<vmem>>, vector<16xi32>,
      %swap3A_529 = vector.shape_cast %swap3A_528 : vector<16xi32> to vector<16xi32>
      %swap3A_530 = vector.shape_cast %min3A_526 : vector<16xi32> to vector<16xi32>
      tpu.vector_store %arg9[%swap3A_527], %swap3A_530 {strides = array<i32>} : memref<128xi32, #tpu.memory_space<vmem>>, vector<16xi32>,
      %dma_start3A_531 = arith.constant 0 : i32
      %dma_start3A_532 = arith.constant 0 : i32
      %dma_start3A_533 = tpu.memref_slice %arg5[%dma_start3A_531, %dma_start3A_532] : memref<10000x128xf32, #tpu.memory_space<hbm>> -> memref<10000x128xf32, #tpu.memory_space<hbm>>
      tpu.enqueue_indirect_dma source(%dma_start3A_533 : memref<10000x128xf32, #tpu.memory_space<hbm>>) target(%arg17 : memref<128x128xf32, #tpu.memory_space<vmem>>) offsets(%arg12 : memref<128xi32, #tpu.memory_space<vmem>>) semaphore(%arg20 : memref<!tpu.dma_semaphore, #tpu.memory_space<semaphore_mem>>)
      %mul3A_534 = arith.constant 3 : i32
      %mul3A_535 = arith.muli %scan3A_310, %mul3A_534 : i32
      %add3A_536 = arith.constant 2 : i32
      %add3A_537 = arith.addi %mul3A_535, %add3A_536 : i32
      %mul3A_538 = arith.constant 128 : i32
      %mul3A_539 = arith.muli %add3A_537, %mul3A_538 : i32
      %add3A_540 = arith.addi %mul3A_120, %mul3A_539 : i32
      %dma_wait3A_541 = arith.constant 0 : i32
      %dma_wait3A_542 = tpu.memref_slice %arg4[%dma_wait3A_541] : memref<12048xi32, #tpu.memory_space<hbm>> -> memref<12048xi32, #tpu.memory_space<hbm>>
      tpu.wait_indirect_dma semaphore(%arg21 : memref<!tpu.dma_semaphore, #tpu.memory_space<semaphore_mem>>) src(%dma_wait3A_542 : memref<12048xi32, #tpu.memory_space<hbm>>) dst(%arg13 : memref<128xi32, #tpu.memory_space<vmem>>)
      "tpu.region"() ({
        %run_scoped3A = tpu.sem_alloc : memref<!tpu.dma_semaphore, #tpu.memory_space<semaphore_mem>>
        %dma_start3A_644 = tpu.memref_slice %arg3[%add3A_540] : memref<320000xi32, #tpu.memory_space<hbm>> -> memref<128xi32, #tpu.memory_space<hbm>>
        %dma_start3A_645 = tpu.memref_slice %arg3[%add3A_540] : memref<320000xi32, #tpu.memory_space<hbm>> -> memref<128xi32, #tpu.memory_space<hbm>>
        tpu.enqueue_dma source(%dma_start3A_645 : memref<128xi32, #tpu.memory_space<hbm>>) target(%arg10 : memref<128xi32, #tpu.memory_space<vmem>>) target_semaphore(%run_scoped3A : memref<!tpu.dma_semaphore, #tpu.memory_space<semaphore_mem>>)
        %dma_wait3A_646 = tpu.memref_slice %arg3[%add3A_540] : memref<320000xi32, #tpu.memory_space<hbm>> -> memref<128xi32, #tpu.memory_space<hbm>>
        %dma_wait3A_647 = tpu.memref_slice %arg3[%add3A_540] : memref<320000xi32, #tpu.memory_space<hbm>> -> memref<128xi32, #tpu.memory_space<hbm>>
        tpu.wait_dma2 semaphore(%run_scoped3A : memref<!tpu.dma_semaphore, #tpu.memory_space<semaphore_mem>>) src(%dma_wait3A_647 : memref<128xi32, #tpu.memory_space<hbm>>) dst(%arg10 : memref<128xi32, #tpu.memory_space<vmem>>)
        tpu.yield
      }) : () -> ()
      %get3A_543 = arith.constant 0 : index
      %get3A_544 = tpu.vector_load %arg10[%get3A_543] {strides = array<i32>} : memref<128xi32, #tpu.memory_space<vmem>>, vector<16xi32>,
      %get3A_545 = vector.shape_cast %get3A_544 : vector<16xi32> to vector<16xi32>
      %min3A_546 = arith.constant 10000 : i32
      %min3A_547 = vector.broadcast %min3A_546 : i32 to vector<16xi32>
      %min3A_548 = arith.minsi %get3A_545, %min3A_547 : vector<16xi32>
      %swap3A_549 = arith.constant 0 : index
      %swap3A_550 = tpu.vector_load %arg10[%swap3A_549] {strides = array<i32>} : memref<128xi32, #tpu.memory_space<vmem>>, vector<16xi32>,
      %swap3A_551 = vector.shape_cast %swap3A_550 : vector<16xi32> to vector<16xi32>
      %swap3A_552 = vector.shape_cast %min3A_548 : vector<16xi32> to vector<16xi32>
      tpu.vector_store %arg10[%swap3A_549], %swap3A_552 {strides = array<i32>} : memref<128xi32, #tpu.memory_space<vmem>>, vector<16xi32>,
      %get3A_553 = arith.constant 16 : index
      %get3A_554 = tpu.vector_load %arg10[%get3A_553] {strides = array<i32>} : memref<128xi32, #tpu.memory_space<vmem>>, vector<16xi32>,
      %get3A_555 = vector.shape_cast %get3A_554 : vector<16xi32> to vector<16xi32>
      %min3A_556 = arith.constant 10000 : i32
      %min3A_557 = vector.broadcast %min3A_556 : i32 to vector<16xi32>
      %min3A_558 = arith.minsi %get3A_555, %min3A_557 : vector<16xi32>
      %swap3A_559 = arith.constant 16 : index
      %swap3A_560 = tpu.vector_load %arg10[%swap3A_559] {strides = array<i32>} : memref<128xi32, #tpu.memory_space<vmem>>, vector<16xi32>,
      %swap3A_561 = vector.shape_cast %swap3A_560 : vector<16xi32> to vector<16xi32>
      %swap3A_562 = vector.shape_cast %min3A_558 : vector<16xi32> to vector<16xi32>
      tpu.vector_store %arg10[%swap3A_559], %swap3A_562 {strides = array<i32>} : memref<128xi32, #tpu.memory_space<vmem>>, vector<16xi32>,
      %get3A_563 = arith.constant 32 : index
      %get3A_564 = tpu.vector_load %arg10[%get3A_563] {strides = array<i32>} : memref<128xi32, #tpu.memory_space<vmem>>, vector<16xi32>,
      %get3A_565 = vector.shape_cast %get3A_564 : vector<16xi32> to vector<16xi32>
      %min3A_566 = arith.constant 10000 : i32
      %min3A_567 = vector.broadcast %min3A_566 : i32 to vector<16xi32>
      %min3A_568 = arith.minsi %get3A_565, %min3A_567 : vector<16xi32>
      %swap3A_569 = arith.constant 32 : index
      %swap3A_570 = tpu.vector_load %arg10[%swap3A_569] {strides = array<i32>} : memref<128xi32, #tpu.memory_space<vmem>>, vector<16xi32>,
      %swap3A_571 = vector.shape_cast %swap3A_570 : vector<16xi32> to vector<16xi32>
      %swap3A_572 = vector.shape_cast %min3A_568 : vector<16xi32> to vector<16xi32>
      tpu.vector_store %arg10[%swap3A_569], %swap3A_572 {strides = array<i32>} : memref<128xi32, #tpu.memory_space<vmem>>, vector<16xi32>,
      %get3A_573 = arith.constant 48 : index
      %get3A_574 = tpu.vector_load %arg10[%get3A_573] {strides = array<i32>} : memref<128xi32, #tpu.memory_space<vmem>>, vector<16xi32>,
      %get3A_575 = vector.shape_cast %get3A_574 : vector<16xi32> to vector<16xi32>
      %min3A_576 = arith.constant 10000 : i32
      %min3A_577 = vector.broadcast %min3A_576 : i32 to vector<16xi32>
      %min3A_578 = arith.minsi %get3A_575, %min3A_577 : vector<16xi32>
      %swap3A_579 = arith.constant 48 : index
      %swap3A_580 = tpu.vector_load %arg10[%swap3A_579] {strides = array<i32>} : memref<128xi32, #tpu.memory_space<vmem>>, vector<16xi32>,
      %swap3A_581 = vector.shape_cast %swap3A_580 : vector<16xi32> to vector<16xi32>
      %swap3A_582 = vector.shape_cast %min3A_578 : vector<16xi32> to vector<16xi32>
      tpu.vector_store %arg10[%swap3A_579], %swap3A_582 {strides = array<i32>} : memref<128xi32, #tpu.memory_space<vmem>>, vector<16xi32>,
      %get3A_583 = arith.constant 64 : index
      %get3A_584 = tpu.vector_load %arg10[%get3A_583] {strides = array<i32>} : memref<128xi32, #tpu.memory_space<vmem>>, vector<16xi32>,
      %get3A_585 = vector.shape_cast %get3A_584 : vector<16xi32> to vector<16xi32>
      %min3A_586 = arith.constant 10000 : i32
      %min3A_587 = vector.broadcast %min3A_586 : i32 to vector<16xi32>
      %min3A_588 = arith.minsi %get3A_585, %min3A_587 : vector<16xi32>
      %swap3A_589 = arith.constant 64 : index
      %swap3A_590 = tpu.vector_load %arg10[%swap3A_589] {strides = array<i32>} : memref<128xi32, #tpu.memory_space<vmem>>, vector<16xi32>,
      %swap3A_591 = vector.shape_cast %swap3A_590 : vector<16xi32> to vector<16xi32>
      %swap3A_592 = vector.shape_cast %min3A_588 : vector<16xi32> to vector<16xi32>
      tpu.vector_store %arg10[%swap3A_589], %swap3A_592 {strides = array<i32>} : memref<128xi32, #tpu.memory_space<vmem>>, vector<16xi32>,
      %get3A_593 = arith.constant 80 : index
      %get3A_594 = tpu.vector_load %arg10[%get3A_593] {strides = array<i32>} : memref<128xi32, #tpu.memory_space<vmem>>, vector<16xi32>,
      %get3A_595 = vector.shape_cast %get3A_594 : vector<16xi32> to vector<16xi32>
      %min3A_596 = arith.constant 10000 : i32
      %min3A_597 = vector.broadcast %min3A_596 : i32 to vector<16xi32>
      %min3A_598 = arith.minsi %get3A_595, %min3A_597 : vector<16xi32>
      %swap3A_599 = arith.constant 80 : index
      %swap3A_600 = tpu.vector_load %arg10[%swap3A_599] {strides = array<i32>} : memref<128xi32, #tpu.memory_space<vmem>>, vector<16xi32>,
      %swap3A_601 = vector.shape_cast %swap3A_600 : vector<16xi32> to vector<16xi32>
      %swap3A_602 = vector.shape_cast %min3A_598 : vector<16xi32> to vector<16xi32>
      tpu.vector_store %arg10[%swap3A_599], %swap3A_602 {strides = array<i32>} : memref<128xi32, #tpu.memory_space<vmem>>, vector<16xi32>,
      %get3A_603 = arith.constant 96 : index
      %get3A_604 = tpu.vector_load %arg10[%get3A_603] {strides = array<i32>} : memref<128xi32, #tpu.memory_space<vmem>>, vector<16xi32>,
      %get3A_605 = vector.shape_cast %get3A_604 : vector<16xi32> to vector<16xi32>
      %min3A_606 = arith.constant 10000 : i32
      %min3A_607 = vector.broadcast %min3A_606 : i32 to vector<16xi32>
      %min3A_608 = arith.minsi %get3A_605, %min3A_607 : vector<16xi32>
      %swap3A_609 = arith.constant 96 : index
      %swap3A_610 = tpu.vector_load %arg10[%swap3A_609] {strides = array<i32>} : memref<128xi32, #tpu.memory_space<vmem>>, vector<16xi32>,
      %swap3A_611 = vector.shape_cast %swap3A_610 : vector<16xi32> to vector<16xi32>
      %swap3A_612 = vector.shape_cast %min3A_608 : vector<16xi32> to vector<16xi32>
      tpu.vector_store %arg10[%swap3A_609], %swap3A_612 {strides = array<i32>} : memref<128xi32, #tpu.memory_space<vmem>>, vector<16xi32>,
      %get3A_613 = arith.constant 112 : index
      %get3A_614 = tpu.vector_load %arg10[%get3A_613] {strides = array<i32>} : memref<128xi32, #tpu.memory_space<vmem>>, vector<16xi32>,
      %get3A_615 = vector.shape_cast %get3A_614 : vector<16xi32> to vector<16xi32>
      %min3A_616 = arith.constant 10000 : i32
      %min3A_617 = vector.broadcast %min3A_616 : i32 to vector<16xi32>
      %min3A_618 = arith.minsi %get3A_615, %min3A_617 : vector<16xi32>
      %swap3A_619 = arith.constant 112 : index
      %swap3A_620 = tpu.vector_load %arg10[%swap3A_619] {strides = array<i32>} : memref<128xi32, #tpu.memory_space<vmem>>, vector<16xi32>,
      %swap3A_621 = vector.shape_cast %swap3A_620 : vector<16xi32> to vector<16xi32>
      %swap3A_622 = vector.shape_cast %min3A_618 : vector<16xi32> to vector<16xi32>
      tpu.vector_store %arg10[%swap3A_619], %swap3A_622 {strides = array<i32>} : memref<128xi32, #tpu.memory_space<vmem>>, vector<16xi32>,
      %dma_start3A_623 = arith.constant 0 : i32
      %dma_start3A_624 = arith.constant 0 : i32
      %dma_start3A_625 = tpu.memref_slice %arg5[%dma_start3A_623, %dma_start3A_624] : memref<10000x128xf32, #tpu.memory_space<hbm>> -> memref<10000x128xf32, #tpu.memory_space<hbm>>
      tpu.enqueue_indirect_dma source(%dma_start3A_625 : memref<10000x128xf32, #tpu.memory_space<hbm>>) target(%arg18 : memref<128x128xf32, #tpu.memory_space<vmem>>) offsets(%arg13 : memref<128xi32, #tpu.memory_space<vmem>>) semaphore(%arg21 : memref<!tpu.dma_semaphore, #tpu.memory_space<semaphore_mem>>)
      %dma_wait3A_626 = arith.constant 0 : i32
      %dma_wait3A_627 = arith.constant 0 : i32
      %dma_wait3A_628 = tpu.memref_slice %arg5[%dma_wait3A_626, %dma_wait3A_627] : memref<10000x128xf32, #tpu.memory_space<hbm>> -> memref<10000x128xf32, #tpu.memory_space<hbm>>
      tpu.wait_indirect_dma semaphore(%arg19 : memref<!tpu.dma_semaphore, #tpu.memory_space<semaphore_mem>>) src(%dma_wait3A_628 : memref<10000x128xf32, #tpu.memory_space<hbm>>) dst(%arg16 : memref<128x128xf32, #tpu.memory_space<vmem>>)
      %dma_start3A_629 = arith.constant 0 : i32
      %dma_start3A_630 = arith.constant 0 : i32
      %dma_start3A_631 = tpu.memref_slice %arg25[%dma_start3A_629, %dma_start3A_630] : memref<10112x128xf32, #tpu.memory_space<vmem_shared>> -> memref<10112x128xf32, #tpu.memory_space<vmem_shared>>
      tpu.enqueue_indirect_dma source(%arg16 : memref<128x128xf32, #tpu.memory_space<vmem>>) target(%dma_start3A_631 : memref<10112x128xf32, #tpu.memory_space<vmem_shared>>) offsets(%arg8 : memref<128xi32, #tpu.memory_space<vmem>>) semaphore(%arg22 : memref<!tpu.dma_semaphore, #tpu.memory_space<semaphore_mem>>) {add = true}
      %dma_wait3A_632 = arith.constant 0 : i32
      %dma_wait3A_633 = arith.constant 0 : i32
      %dma_wait3A_634 = tpu.memref_slice %arg5[%dma_wait3A_632, %dma_wait3A_633] : memref<10000x128xf32, #tpu.memory_space<hbm>> -> memref<10000x128xf32, #tpu.memory_space<hbm>>
      tpu.wait_indirect_dma semaphore(%arg20 : memref<!tpu.dma_semaphore, #tpu.memory_space<semaphore_mem>>) src(%dma_wait3A_634 : memref<10000x128xf32, #tpu.memory_space<hbm>>) dst(%arg17 : memref<128x128xf32, #tpu.memory_space<vmem>>)
      %dma_start3A_635 = arith.constant 0 : i32
      %dma_start3A_636 = arith.constant 0 : i32
      %dma_start3A_637 = tpu.memref_slice %arg25[%dma_start3A_635, %dma_start3A_636] : memref<10112x128xf32, #tpu.memory_space<vmem_shared>> -> memref<10112x128xf32, #tpu.memory_space<vmem_shared>>
      tpu.enqueue_indirect_dma source(%arg17 : memref<128x128xf32, #tpu.memory_space<vmem>>) target(%dma_start3A_637 : memref<10112x128xf32, #tpu.memory_space<vmem_shared>>) offsets(%arg9 : memref<128xi32, #tpu.memory_space<vmem>>) semaphore(%arg23 : memref<!tpu.dma_semaphore, #tpu.memory_space<semaphore_mem>>) {add = true}
      %dma_wait3A_638 = arith.constant 0 : i32
      %dma_wait3A_639 = arith.constant 0 : i32
      %dma_wait3A_640 = tpu.memref_slice %arg5[%dma_wait3A_638, %dma_wait3A_639] : memref<10000x128xf32, #tpu.memory_space<hbm>> -> memref<10000x128xf32, #tpu.memory_space<hbm>>
      tpu.wait_indirect_dma semaphore(%arg21 : memref<!tpu.dma_semaphore, #tpu.memory_space<semaphore_mem>>) src(%dma_wait3A_640 : memref<10000x128xf32, #tpu.memory_space<hbm>>) dst(%arg18 : memref<128x128xf32, #tpu.memory_space<vmem>>)
      %dma_start3A_641 = arith.constant 0 : i32
      %dma_start3A_642 = arith.constant 0 : i32
      %dma_start3A_643 = tpu.memref_slice %arg25[%dma_start3A_641, %dma_start3A_642] : memref<10112x128xf32, #tpu.memory_space<vmem_shared>> -> memref<10112x128xf32, #tpu.memory_space<vmem_shared>>
      tpu.enqueue_indirect_dma source(%arg18 : memref<128x128xf32, #tpu.memory_space<vmem>>) target(%dma_start3A_643 : memref<10112x128xf32, #tpu.memory_space<vmem_shared>>) offsets(%arg10 : memref<128xi32, #tpu.memory_space<vmem>>) semaphore(%arg24 : memref<!tpu.dma_semaphore, #tpu.memory_space<semaphore_mem>>) {add = true}
    }
    %scan3A_125 = arith.constant 26 : i32
    %dma_wait3A_126 = arith.constant 0 : i32
    %dma_wait3A_127 = arith.constant 0 : i32
    %dma_wait3A_128 = tpu.memref_slice %arg25[%dma_wait3A_126, %dma_wait3A_127] : memref<10112x128xf32, #tpu.memory_space<vmem_shared>> -> memref<10112x128xf32, #tpu.memory_space<vmem_shared>>
    tpu.wait_indirect_dma semaphore(%arg22 : memref<!tpu.dma_semaphore, #tpu.memory_space<semaphore_mem>>) src(%arg16 : memref<128x128xf32, #tpu.memory_space<vmem>>) dst(%dma_wait3A_128 : memref<10112x128xf32, #tpu.memory_space<vmem_shared>>)
    %dma_wait3A_129 = arith.constant 0 : i32
    %dma_wait3A_130 = arith.constant 0 : i32
    %dma_wait3A_131 = tpu.memref_slice %arg25[%dma_wait3A_129, %dma_wait3A_130] : memref<10112x128xf32, #tpu.memory_space<vmem_shared>> -> memref<10112x128xf32, #tpu.memory_space<vmem_shared>>
    tpu.wait_indirect_dma semaphore(%arg23 : memref<!tpu.dma_semaphore, #tpu.memory_space<semaphore_mem>>) src(%arg17 : memref<128x128xf32, #tpu.memory_space<vmem>>) dst(%dma_wait3A_131 : memref<10112x128xf32, #tpu.memory_space<vmem_shared>>)
    %dma_wait3A_132 = arith.constant 0 : i32
    %dma_wait3A_133 = arith.constant 0 : i32
    %dma_wait3A_134 = tpu.memref_slice %arg25[%dma_wait3A_132, %dma_wait3A_133] : memref<10112x128xf32, #tpu.memory_space<vmem_shared>> -> memref<10112x128xf32, #tpu.memory_space<vmem_shared>>
    tpu.wait_indirect_dma semaphore(%arg24 : memref<!tpu.dma_semaphore, #tpu.memory_space<semaphore_mem>>) src(%arg18 : memref<128x128xf32, #tpu.memory_space<vmem>>) dst(%dma_wait3A_134 : memref<10112x128xf32, #tpu.memory_space<vmem_shared>>)
    %add3A_135 = arith.constant 9984 : i32
    %add3A_136 = arith.addi %mul3A_120, %add3A_135 : i32
    "tpu.region"() ({
      %run_scoped3A = tpu.sem_alloc : memref<!tpu.dma_semaphore, #tpu.memory_space<semaphore_mem>>
      %dma_start3A_310 = tpu.memref_slice %arg2[%add3A_136] : memref<320000xi32, #tpu.memory_space<hbm>> -> memref<16xi32, #tpu.memory_space<hbm>>
      %dma_start3A_311 = tpu.memref_slice %arg2[%add3A_136] : memref<320000xi32, #tpu.memory_space<hbm>> -> memref<16xi32, #tpu.memory_space<hbm>>
      tpu.enqueue_dma source(%dma_start3A_311 : memref<16xi32, #tpu.memory_space<hbm>>) target(%arg14 : memref<16xi32, #tpu.memory_space<vmem>>) target_semaphore(%run_scoped3A : memref<!tpu.dma_semaphore, #tpu.memory_space<semaphore_mem>>)
      %dma_wait3A_312 = tpu.memref_slice %arg2[%add3A_136] : memref<320000xi32, #tpu.memory_space<hbm>> -> memref<16xi32, #tpu.memory_space<hbm>>
      %dma_wait3A_313 = tpu.memref_slice %arg2[%add3A_136] : memref<320000xi32, #tpu.memory_space<hbm>> -> memref<16xi32, #tpu.memory_space<hbm>>
      tpu.wait_dma2 semaphore(%run_scoped3A : memref<!tpu.dma_semaphore, #tpu.memory_space<semaphore_mem>>) src(%dma_wait3A_313 : memref<16xi32, #tpu.memory_space<hbm>>) dst(%arg14 : memref<16xi32, #tpu.memory_space<vmem>>)
      tpu.yield
    }) : () -> ()
    %dma_start3A_137 = arith.constant 0 : i32
    %dma_start3A_138 = tpu.memref_slice %arg4[%dma_start3A_137] : memref<12048xi32, #tpu.memory_space<hbm>> -> memref<12048xi32, #tpu.memory_space<hbm>>
    tpu.enqueue_indirect_dma source(%dma_start3A_138 : memref<12048xi32, #tpu.memory_space<hbm>>) target(%arg15 : memref<16xi32, #tpu.memory_space<vmem>>) offsets(%arg14 : memref<16xi32, #tpu.memory_space<vmem>>) semaphore(%arg19 : memref<!tpu.dma_semaphore, #tpu.memory_space<semaphore_mem>>)
    %dma_wait3A_139 = arith.constant 0 : i32
    %dma_wait3A_140 = tpu.memref_slice %arg4[%dma_wait3A_139] : memref<12048xi32, #tpu.memory_space<hbm>> -> memref<12048xi32, #tpu.memory_space<hbm>>
    tpu.wait_indirect_dma semaphore(%arg19 : memref<!tpu.dma_semaphore, #tpu.memory_space<semaphore_mem>>) src(%dma_wait3A_140 : memref<12048xi32, #tpu.memory_space<hbm>>) dst(%arg15 : memref<16xi32, #tpu.memory_space<vmem>>)
    %get3A = arith.constant 0 : index
    %get3A_141 = tpu.vector_load %arg15[%get3A] {strides = array<i32>} : memref<16xi32, #tpu.memory_space<vmem>>, vector<16xi32>,
    %get3A_142 = vector.shape_cast %get3A_141 : vector<16xi32> to vector<16xi32>
    %swap3A = arith.constant 0 : index
    %swap3A_143 = tpu.vector_load %arg14[%swap3A] {strides = array<i32>} : memref<16xi32, #tpu.memory_space<vmem>>, vector<16xi32>,
    %swap3A_144 = vector.shape_cast %swap3A_143 : vector<16xi32> to vector<16xi32>
    %swap3A_145 = vector.shape_cast %get3A_142 : vector<16xi32> to vector<16xi32>
    tpu.vector_store %arg14[%swap3A], %swap3A_145 {strides = array<i32>} : memref<16xi32, #tpu.memory_space<vmem>>, vector<16xi32>,
    "tpu.region"() ({
      %run_scoped3A = tpu.sem_alloc : memref<!tpu.dma_semaphore, #tpu.memory_space<semaphore_mem>>
      %dma_start3A_310 = tpu.memref_slice %arg3[%add3A_136] : memref<320000xi32, #tpu.memory_space<hbm>> -> memref<16xi32, #tpu.memory_space<hbm>>
      %dma_start3A_311 = tpu.memref_slice %arg3[%add3A_136] : memref<320000xi32, #tpu.memory_space<hbm>> -> memref<16xi32, #tpu.memory_space<hbm>>
      tpu.enqueue_dma source(%dma_start3A_311 : memref<16xi32, #tpu.memory_space<hbm>>) target(%arg15 : memref<16xi32, #tpu.memory_space<vmem>>) target_semaphore(%run_scoped3A : memref<!tpu.dma_semaphore, #tpu.memory_space<semaphore_mem>>)
      %dma_wait3A_312 = tpu.memref_slice %arg3[%add3A_136] : memref<320000xi32, #tpu.memory_space<hbm>> -> memref<16xi32, #tpu.memory_space<hbm>>
      %dma_wait3A_313 = tpu.memref_slice %arg3[%add3A_136] : memref<320000xi32, #tpu.memory_space<hbm>> -> memref<16xi32, #tpu.memory_space<hbm>>
      tpu.wait_dma2 semaphore(%run_scoped3A : memref<!tpu.dma_semaphore, #tpu.memory_space<semaphore_mem>>) src(%dma_wait3A_313 : memref<16xi32, #tpu.memory_space<hbm>>) dst(%arg15 : memref<16xi32, #tpu.memory_space<vmem>>)
      tpu.yield
    }) : () -> ()
    %get3A_146 = arith.constant 0 : index
    %get3A_147 = tpu.vector_load %arg15[%get3A_146] {strides = array<i32>} : memref<16xi32, #tpu.memory_space<vmem>>, vector<16xi32>,
    %get3A_148 = vector.shape_cast %get3A_147 : vector<16xi32> to vector<16xi32>
    %min3A = arith.constant 10000 : i32
    %min3A_149 = vector.broadcast %min3A : i32 to vector<16xi32>
    %min3A_150 = arith.minsi %get3A_148, %min3A_149 : vector<16xi32>
    %swap3A_151 = arith.constant 0 : index
    %swap3A_152 = tpu.vector_load %arg15[%swap3A_151] {strides = array<i32>} : memref<16xi32, #tpu.memory_space<vmem>>, vector<16xi32>,
    %swap3A_153 = vector.shape_cast %swap3A_152 : vector<16xi32> to vector<16xi32>
    %swap3A_154 = vector.shape_cast %min3A_150 : vector<16xi32> to vector<16xi32>
    tpu.vector_store %arg15[%swap3A_151], %swap3A_154 {strides = array<i32>} : memref<16xi32, #tpu.memory_space<vmem>>, vector<16xi32>,
    %dma_start3A_155 = arith.constant 0 : i32
    %dma_start3A_156 = arith.constant 0 : i32
    %dma_start3A_157 = tpu.memref_slice %arg16[%dma_start3A_155, %dma_start3A_156] : memref<128x128xf32, #tpu.memory_space<vmem>> -> memref<16x128xf32, #tpu.memory_space<vmem>>
    %dma_start3A_158 = arith.constant 0 : i32
    %dma_start3A_159 = arith.constant 0 : i32
    %dma_start3A_160 = tpu.memref_slice %arg5[%dma_start3A_158, %dma_start3A_159] : memref<10000x128xf32, #tpu.memory_space<hbm>> -> memref<10000x128xf32, #tpu.memory_space<hbm>>
    tpu.enqueue_indirect_dma source(%dma_start3A_160 : memref<10000x128xf32, #tpu.memory_space<hbm>>) target(%dma_start3A_157 : memref<16x128xf32, #tpu.memory_space<vmem>>) offsets(%arg14 : memref<16xi32, #tpu.memory_space<vmem>>) semaphore(%arg19 : memref<!tpu.dma_semaphore, #tpu.memory_space<semaphore_mem>>)
    %dma_wait3A_161 = arith.constant 0 : i32
    %dma_wait3A_162 = arith.constant 0 : i32
    %dma_wait3A_163 = tpu.memref_slice %arg16[%dma_wait3A_161, %dma_wait3A_162] : memref<128x128xf32, #tpu.memory_space<vmem>> -> memref<16x128xf32, #tpu.memory_space<vmem>>
    %dma_wait3A_164 = arith.constant 0 : i32
    %dma_wait3A_165 = arith.constant 0 : i32
    %dma_wait3A_166 = tpu.memref_slice %arg5[%dma_wait3A_164, %dma_wait3A_165] : memref<10000x128xf32, #tpu.memory_space<hbm>> -> memref<10000x128xf32, #tpu.memory_space<hbm>>
    tpu.wait_indirect_dma semaphore(%arg19 : memref<!tpu.dma_semaphore, #tpu.memory_space<semaphore_mem>>) src(%dma_wait3A_166 : memref<10000x128xf32, #tpu.memory_space<hbm>>) dst(%dma_wait3A_163 : memref<16x128xf32, #tpu.memory_space<vmem>>)
    "tpu.region"() ({
      %run_scoped3A = tpu.sem_alloc : memref<!tpu.dma_semaphore, #tpu.memory_space<semaphore_mem>>
      %dma_start3A_310 = arith.constant 0 : i32
      %dma_start3A_311 = arith.constant 0 : i32
      %dma_start3A_312 = tpu.memref_slice %arg16[%dma_start3A_310, %dma_start3A_311] : memref<128x128xf32, #tpu.memory_space<vmem>> -> memref<16x128xf32, #tpu.memory_space<vmem>>
      %dma_start3A_313 = arith.constant 0 : i32
      %dma_start3A_314 = arith.constant 0 : i32
      %dma_start3A_315 = tpu.memref_slice %arg25[%dma_start3A_313, %dma_start3A_314] : memref<10112x128xf32, #tpu.memory_space<vmem_shared>> -> memref<10112x128xf32, #tpu.memory_space<vmem_shared>>
      tpu.enqueue_indirect_dma source(%dma_start3A_312 : memref<16x128xf32, #tpu.memory_space<vmem>>) target(%dma_start3A_315 : memref<10112x128xf32, #tpu.memory_space<vmem_shared>>) offsets(%arg15 : memref<16xi32, #tpu.memory_space<vmem>>) semaphore(%run_scoped3A : memref<!tpu.dma_semaphore, #tpu.memory_space<semaphore_mem>>) {add = true}
      %dma_wait3A_316 = arith.constant 0 : i32
      %dma_wait3A_317 = arith.constant 0 : i32
      %dma_wait3A_318 = tpu.memref_slice %arg16[%dma_wait3A_316, %dma_wait3A_317] : memref<128x128xf32, #tpu.memory_space<vmem>> -> memref<16x128xf32, #tpu.memory_space<vmem>>
      %dma_wait3A_319 = arith.constant 0 : i32
      %dma_wait3A_320 = arith.constant 0 : i32
      %dma_wait3A_321 = tpu.memref_slice %arg25[%dma_wait3A_319, %dma_wait3A_320] : memref<10112x128xf32, #tpu.memory_space<vmem_shared>> -> memref<10112x128xf32, #tpu.memory_space<vmem_shared>>
      tpu.wait_indirect_dma semaphore(%run_scoped3A : memref<!tpu.dma_semaphore, #tpu.memory_space<semaphore_mem>>) src(%dma_wait3A_318 : memref<16x128xf32, #tpu.memory_space<vmem>>) dst(%dma_wait3A_321 : memref<10112x128xf32, #tpu.memory_space<vmem_shared>>)
      tpu.yield
    }) : () -> ()
    %barrier3A_167 = arith.constant 0 : index
    tpu.barrier barrier_id(%barrier3A_167)
    %mul3A_168 = arith.constant 632 : i32
    %mul3A_169 = arith.muli %arg1, %mul3A_168 : i32
    %add3A_170 = arith.constant 0 : i32
    %add3A_171 = arith.addi %mul3A_169, %add3A_170 : i32
    "tpu.region"() ({
      %run_scoped3A = tpu.sem_alloc : memref<!tpu.dma_semaphore, #tpu.memory_space<semaphore_mem>>
      %dma_start3A_310 = arith.constant 0 : i32
      %dma_start3A_311 = arith.constant 0 : i32
      %dma_start3A_312 = tpu.memref_slice %arg16[%dma_start3A_310, %dma_start3A_311] : memref<128x128xf32, #tpu.memory_space<vmem>> -> memref<128x128xf32, #tpu.memory_space<vmem>>
      %dma_start3A_313 = arith.constant 0 : i32
      %dma_start3A_314 = tpu.memref_slice %arg25[%add3A_171, %dma_start3A_313] : memref<10112x128xf32, #tpu.memory_space<vmem_shared>> -> memref<128x128xf32, #tpu.memory_space<vmem_shared>>
      %dma_start3A_315 = arith.constant 0 : i32
      %dma_start3A_316 = arith.constant 0 : i32
      %dma_start3A_317 = tpu.memref_slice %arg16[%dma_start3A_315, %dma_start3A_316] : memref<128x128xf32, #tpu.memory_space<vmem>> -> memref<128x128xf32, #tpu.memory_space<vmem>>
      %dma_start3A_318 = arith.constant 0 : i32
      %dma_start3A_319 = tpu.memref_slice %arg25[%add3A_171, %dma_start3A_318] : memref<10112x128xf32, #tpu.memory_space<vmem_shared>> -> memref<128x128xf32, #tpu.memory_space<vmem_shared>>
      tpu.enqueue_dma source(%dma_start3A_319 : memref<128x128xf32, #tpu.memory_space<vmem_shared>>) target(%dma_start3A_317 : memref<128x128xf32, #tpu.memory_space<vmem>>) target_semaphore(%run_scoped3A : memref<!tpu.dma_semaphore, #tpu.memory_space<semaphore_mem>>)
      %dma_wait3A_320 = arith.constant 0 : i32
      %dma_wait3A_321 = arith.constant 0 : i32
      %dma_wait3A_322 = tpu.memref_slice %arg16[%dma_wait3A_320, %dma_wait3A_321] : memref<128x128xf32, #tpu.memory_space<vmem>> -> memref<128x128xf32, #tpu.memory_space<vmem>>
      %dma_wait3A_323 = arith.constant 0 : i32
      %dma_wait3A_324 = tpu.memref_slice %arg25[%add3A_171, %dma_wait3A_323] : memref<10112x128xf32, #tpu.memory_space<vmem_shared>> -> memref<128x128xf32, #tpu.memory_space<vmem_shared>>
      %dma_wait3A_325 = arith.constant 0 : i32
      %dma_wait3A_326 = arith.constant 0 : i32
      %dma_wait3A_327 = tpu.memref_slice %arg16[%dma_wait3A_325, %dma_wait3A_326] : memref<128x128xf32, #tpu.memory_space<vmem>> -> memref<128x128xf32, #tpu.memory_space<vmem>>
      %dma_wait3A_328 = arith.constant 0 : i32
      %dma_wait3A_329 = tpu.memref_slice %arg25[%add3A_171, %dma_wait3A_328] : memref<10112x128xf32, #tpu.memory_space<vmem_shared>> -> memref<128x128xf32, #tpu.memory_space<vmem_shared>>
      tpu.wait_dma2 semaphore(%run_scoped3A : memref<!tpu.dma_semaphore, #tpu.memory_space<semaphore_mem>>) src(%dma_wait3A_329 : memref<128x128xf32, #tpu.memory_space<vmem_shared>>) dst(%dma_wait3A_327 : memref<128x128xf32, #tpu.memory_space<vmem>>)
      tpu.yield
    }) : () -> ()
    %add3A_172 = arith.constant 0 : i32
    %add3A_173 = arith.addi %mul3A_169, %add3A_172 : i32
    %dma_start3A_174 = arith.constant 0 : i32
    %dma_start3A_175 = arith.constant 0 : i32
    %dma_start3A_176 = tpu.memref_slice %arg16[%dma_start3A_174, %dma_start3A_175] : memref<128x128xf32, #tpu.memory_space<vmem>> -> memref<128x128xf32, #tpu.memory_space<vmem>>
    %dma_start3A_177 = arith.constant 0 : i32
    %dma_start3A_178 = tpu.memref_slice %arg7[%arg0, %add3A_173, %dma_start3A_177] : memref<2x10112x128xf32, #tpu.memory_space<hbm>> -> memref<1x128x128xf32, #tpu.memory_space<hbm>>
    %dma_start3A_179 = tpu.memref_squeeze %dma_start3A_178 : memref<1x128x128xf32, #tpu.memory_space<hbm>> -> memref<128x128xf32, #tpu.memory_space<hbm>>
    %dma_start3A_180 = arith.constant 0 : i32
    %dma_start3A_181 = tpu.memref_slice %arg7[%arg0, %add3A_173, %dma_start3A_180] : memref<2x10112x128xf32, #tpu.memory_space<hbm>> -> memref<1x128x128xf32, #tpu.memory_space<hbm>>
    %dma_start3A_182 = tpu.memref_squeeze %dma_start3A_181 : memref<1x128x128xf32, #tpu.memory_space<hbm>> -> memref<128x128xf32, #tpu.memory_space<hbm>>
    %dma_start3A_183 = arith.constant 0 : i32
    %dma_start3A_184 = arith.constant 0 : i32
    %dma_start3A_185 = tpu.memref_slice %arg16[%dma_start3A_183, %dma_start3A_184] : memref<128x128xf32, #tpu.memory_space<vmem>> -> memref<128x128xf32, #tpu.memory_space<vmem>>
    tpu.enqueue_dma source(%dma_start3A_185 : memref<128x128xf32, #tpu.memory_space<vmem>>) target(%dma_start3A_182 : memref<128x128xf32, #tpu.memory_space<hbm>>) target_semaphore(%arg22 : memref<!tpu.dma_semaphore, #tpu.memory_space<semaphore_mem>>)
    %add3A_186 = arith.constant 128 : i32
    %add3A_187 = arith.addi %mul3A_169, %add3A_186 : i32
    "tpu.region"() ({
      %run_scoped3A = tpu.sem_alloc : memref<!tpu.dma_semaphore, #tpu.memory_space<semaphore_mem>>
      %dma_start3A_310 = arith.constant 0 : i32
      %dma_start3A_311 = arith.constant 0 : i32
      %dma_start3A_312 = tpu.memref_slice %arg17[%dma_start3A_310, %dma_start3A_311] : memref<128x128xf32, #tpu.memory_space<vmem>> -> memref<128x128xf32, #tpu.memory_space<vmem>>
      %dma_start3A_313 = arith.constant 0 : i32
      %dma_start3A_314 = tpu.memref_slice %arg25[%add3A_187, %dma_start3A_313] : memref<10112x128xf32, #tpu.memory_space<vmem_shared>> -> memref<128x128xf32, #tpu.memory_space<vmem_shared>>
      %dma_start3A_315 = arith.constant 0 : i32
      %dma_start3A_316 = arith.constant 0 : i32
      %dma_start3A_317 = tpu.memref_slice %arg17[%dma_start3A_315, %dma_start3A_316] : memref<128x128xf32, #tpu.memory_space<vmem>> -> memref<128x128xf32, #tpu.memory_space<vmem>>
      %dma_start3A_318 = arith.constant 0 : i32
      %dma_start3A_319 = tpu.memref_slice %arg25[%add3A_187, %dma_start3A_318] : memref<10112x128xf32, #tpu.memory_space<vmem_shared>> -> memref<128x128xf32, #tpu.memory_space<vmem_shared>>
      tpu.enqueue_dma source(%dma_start3A_319 : memref<128x128xf32, #tpu.memory_space<vmem_shared>>) target(%dma_start3A_317 : memref<128x128xf32, #tpu.memory_space<vmem>>) target_semaphore(%run_scoped3A : memref<!tpu.dma_semaphore, #tpu.memory_space<semaphore_mem>>)
      %dma_wait3A_320 = arith.constant 0 : i32
      %dma_wait3A_321 = arith.constant 0 : i32
      %dma_wait3A_322 = tpu.memref_slice %arg17[%dma_wait3A_320, %dma_wait3A_321] : memref<128x128xf32, #tpu.memory_space<vmem>> -> memref<128x128xf32, #tpu.memory_space<vmem>>
      %dma_wait3A_323 = arith.constant 0 : i32
      %dma_wait3A_324 = tpu.memref_slice %arg25[%add3A_187, %dma_wait3A_323] : memref<10112x128xf32, #tpu.memory_space<vmem_shared>> -> memref<128x128xf32, #tpu.memory_space<vmem_shared>>
      %dma_wait3A_325 = arith.constant 0 : i32
      %dma_wait3A_326 = arith.constant 0 : i32
      %dma_wait3A_327 = tpu.memref_slice %arg17[%dma_wait3A_325, %dma_wait3A_326] : memref<128x128xf32, #tpu.memory_space<vmem>> -> memref<128x128xf32, #tpu.memory_space<vmem>>
      %dma_wait3A_328 = arith.constant 0 : i32
      %dma_wait3A_329 = tpu.memref_slice %arg25[%add3A_187, %dma_wait3A_328] : memref<10112x128xf32, #tpu.memory_space<vmem_shared>> -> memref<128x128xf32, #tpu.memory_space<vmem_shared>>
      tpu.wait_dma2 semaphore(%run_scoped3A : memref<!tpu.dma_semaphore, #tpu.memory_space<semaphore_mem>>) src(%dma_wait3A_329 : memref<128x128xf32, #tpu.memory_space<vmem_shared>>) dst(%dma_wait3A_327 : memref<128x128xf32, #tpu.memory_space<vmem>>)
      tpu.yield
    }) : () -> ()
    %add3A_188 = arith.constant 128 : i32
    %add3A_189 = arith.addi %mul3A_169, %add3A_188 : i32
    %dma_start3A_190 = arith.constant 0 : i32
    %dma_start3A_191 = arith.constant 0 : i32
    %dma_start3A_192 = tpu.memref_slice %arg17[%dma_start3A_190, %dma_start3A_191] : memref<128x128xf32, #tpu.memory_space<vmem>> -> memref<128x128xf32, #tpu.memory_space<vmem>>
    %dma_start3A_193 = arith.constant 0 : i32
    %dma_start3A_194 = tpu.memref_slice %arg7[%arg0, %add3A_189, %dma_start3A_193] : memref<2x10112x128xf32, #tpu.memory_space<hbm>> -> memref<1x128x128xf32, #tpu.memory_space<hbm>>
    %dma_start3A_195 = tpu.memref_squeeze %dma_start3A_194 : memref<1x128x128xf32, #tpu.memory_space<hbm>> -> memref<128x128xf32, #tpu.memory_space<hbm>>
    %dma_start3A_196 = arith.constant 0 : i32
    %dma_start3A_197 = tpu.memref_slice %arg7[%arg0, %add3A_189, %dma_start3A_196] : memref<2x10112x128xf32, #tpu.memory_space<hbm>> -> memref<1x128x128xf32, #tpu.memory_space<hbm>>
    %dma_start3A_198 = tpu.memref_squeeze %dma_start3A_197 : memref<1x128x128xf32, #tpu.memory_space<hbm>> -> memref<128x128xf32, #tpu.memory_space<hbm>>
    %dma_start3A_199 = arith.constant 0 : i32
    %dma_start3A_200 = arith.constant 0 : i32
    %dma_start3A_201 = tpu.memref_slice %arg17[%dma_start3A_199, %dma_start3A_200] : memref<128x128xf32, #tpu.memory_space<vmem>> -> memref<128x128xf32, #tpu.memory_space<vmem>>
    tpu.enqueue_dma source(%dma_start3A_201 : memref<128x128xf32, #tpu.memory_space<vmem>>) target(%dma_start3A_198 : memref<128x128xf32, #tpu.memory_space<hbm>>) target_semaphore(%arg23 : memref<!tpu.dma_semaphore, #tpu.memory_space<semaphore_mem>>)
    %add3A_202 = arith.constant 256 : i32
    %add3A_203 = arith.addi %mul3A_169, %add3A_202 : i32
    "tpu.region"() ({
      %run_scoped3A = tpu.sem_alloc : memref<!tpu.dma_semaphore, #tpu.memory_space<semaphore_mem>>
      %dma_start3A_310 = arith.constant 0 : i32
      %dma_start3A_311 = arith.constant 0 : i32
      %dma_start3A_312 = tpu.memref_slice %arg18[%dma_start3A_310, %dma_start3A_311] : memref<128x128xf32, #tpu.memory_space<vmem>> -> memref<128x128xf32, #tpu.memory_space<vmem>>
      %dma_start3A_313 = arith.constant 0 : i32
      %dma_start3A_314 = tpu.memref_slice %arg25[%add3A_203, %dma_start3A_313] : memref<10112x128xf32, #tpu.memory_space<vmem_shared>> -> memref<128x128xf32, #tpu.memory_space<vmem_shared>>
      %dma_start3A_315 = arith.constant 0 : i32
      %dma_start3A_316 = arith.constant 0 : i32
      %dma_start3A_317 = tpu.memref_slice %arg18[%dma_start3A_315, %dma_start3A_316] : memref<128x128xf32, #tpu.memory_space<vmem>> -> memref<128x128xf32, #tpu.memory_space<vmem>>
      %dma_start3A_318 = arith.constant 0 : i32
      %dma_start3A_319 = tpu.memref_slice %arg25[%add3A_203, %dma_start3A_318] : memref<10112x128xf32, #tpu.memory_space<vmem_shared>> -> memref<128x128xf32, #tpu.memory_space<vmem_shared>>
      tpu.enqueue_dma source(%dma_start3A_319 : memref<128x128xf32, #tpu.memory_space<vmem_shared>>) target(%dma_start3A_317 : memref<128x128xf32, #tpu.memory_space<vmem>>) target_semaphore(%run_scoped3A : memref<!tpu.dma_semaphore, #tpu.memory_space<semaphore_mem>>)
      %dma_wait3A_320 = arith.constant 0 : i32
      %dma_wait3A_321 = arith.constant 0 : i32
      %dma_wait3A_322 = tpu.memref_slice %arg18[%dma_wait3A_320, %dma_wait3A_321] : memref<128x128xf32, #tpu.memory_space<vmem>> -> memref<128x128xf32, #tpu.memory_space<vmem>>
      %dma_wait3A_323 = arith.constant 0 : i32
      %dma_wait3A_324 = tpu.memref_slice %arg25[%add3A_203, %dma_wait3A_323] : memref<10112x128xf32, #tpu.memory_space<vmem_shared>> -> memref<128x128xf32, #tpu.memory_space<vmem_shared>>
      %dma_wait3A_325 = arith.constant 0 : i32
      %dma_wait3A_326 = arith.constant 0 : i32
      %dma_wait3A_327 = tpu.memref_slice %arg18[%dma_wait3A_325, %dma_wait3A_326] : memref<128x128xf32, #tpu.memory_space<vmem>> -> memref<128x128xf32, #tpu.memory_space<vmem>>
      %dma_wait3A_328 = arith.constant 0 : i32
      %dma_wait3A_329 = tpu.memref_slice %arg25[%add3A_203, %dma_wait3A_328] : memref<10112x128xf32, #tpu.memory_space<vmem_shared>> -> memref<128x128xf32, #tpu.memory_space<vmem_shared>>
      tpu.wait_dma2 semaphore(%run_scoped3A : memref<!tpu.dma_semaphore, #tpu.memory_space<semaphore_mem>>) src(%dma_wait3A_329 : memref<128x128xf32, #tpu.memory_space<vmem_shared>>) dst(%dma_wait3A_327 : memref<128x128xf32, #tpu.memory_space<vmem>>)
      tpu.yield
    }) : () -> ()
    %add3A_204 = arith.constant 256 : i32
    %add3A_205 = arith.addi %mul3A_169, %add3A_204 : i32
    %dma_start3A_206 = arith.constant 0 : i32
    %dma_start3A_207 = arith.constant 0 : i32
    %dma_start3A_208 = tpu.memref_slice %arg18[%dma_start3A_206, %dma_start3A_207] : memref<128x128xf32, #tpu.memory_space<vmem>> -> memref<128x128xf32, #tpu.memory_space<vmem>>
    %dma_start3A_209 = arith.constant 0 : i32
    %dma_start3A_210 = tpu.memref_slice %arg7[%arg0, %add3A_205, %dma_start3A_209] : memref<2x10112x128xf32, #tpu.memory_space<hbm>> -> memref<1x128x128xf32, #tpu.memory_space<hbm>>
    %dma_start3A_211 = tpu.memref_squeeze %dma_start3A_210 : memref<1x128x128xf32, #tpu.memory_space<hbm>> -> memref<128x128xf32, #tpu.memory_space<hbm>>
    %dma_start3A_212 = arith.constant 0 : i32
    %dma_start3A_213 = tpu.memref_slice %arg7[%arg0, %add3A_205, %dma_start3A_212] : memref<2x10112x128xf32, #tpu.memory_space<hbm>> -> memref<1x128x128xf32, #tpu.memory_space<hbm>>
    %dma_start3A_214 = tpu.memref_squeeze %dma_start3A_213 : memref<1x128x128xf32, #tpu.memory_space<hbm>> -> memref<128x128xf32, #tpu.memory_space<hbm>>
    %dma_start3A_215 = arith.constant 0 : i32
    %dma_start3A_216 = arith.constant 0 : i32
    %dma_start3A_217 = tpu.memref_slice %arg18[%dma_start3A_215, %dma_start3A_216] : memref<128x128xf32, #tpu.memory_space<vmem>> -> memref<128x128xf32, #tpu.memory_space<vmem>>
    tpu.enqueue_dma source(%dma_start3A_217 : memref<128x128xf32, #tpu.memory_space<vmem>>) target(%dma_start3A_214 : memref<128x128xf32, #tpu.memory_space<hbm>>) target_semaphore(%arg24 : memref<!tpu.dma_semaphore, #tpu.memory_space<semaphore_mem>>)
    %dma_wait3A_218 = arith.constant 0 : i32
    %dma_wait3A_219 = arith.constant 0 : i32
    %dma_wait3A_220 = tpu.memref_slice %arg16[%dma_wait3A_218, %dma_wait3A_219] : memref<128x128xf32, #tpu.memory_space<vmem>> -> memref<128x128xf32, #tpu.memory_space<vmem>>
    %dma_wait3A_221 = arith.constant 0 : i32
    %dma_wait3A_222 = tpu.memref_slice %arg7[%arg0, %add3A_173, %dma_wait3A_221] : memref<2x10112x128xf32, #tpu.memory_space<hbm>> -> memref<1x128x128xf32, #tpu.memory_space<hbm>>
    %dma_wait3A_223 = tpu.memref_squeeze %dma_wait3A_222 : memref<1x128x128xf32, #tpu.memory_space<hbm>> -> memref<128x128xf32, #tpu.memory_space<hbm>>
    %dma_wait3A_224 = arith.constant 0 : i32
    %dma_wait3A_225 = tpu.memref_slice %arg7[%arg0, %add3A_173, %dma_wait3A_224] : memref<2x10112x128xf32, #tpu.memory_space<hbm>> -> memref<1x128x128xf32, #tpu.memory_space<hbm>>
    %dma_wait3A_226 = tpu.memref_squeeze %dma_wait3A_225 : memref<1x128x128xf32, #tpu.memory_space<hbm>> -> memref<128x128xf32, #tpu.memory_space<hbm>>
    %dma_wait3A_227 = arith.constant 0 : i32
    %dma_wait3A_228 = arith.constant 0 : i32
    %dma_wait3A_229 = tpu.memref_slice %arg16[%dma_wait3A_227, %dma_wait3A_228] : memref<128x128xf32, #tpu.memory_space<vmem>> -> memref<128x128xf32, #tpu.memory_space<vmem>>
    tpu.wait_dma2 semaphore(%arg22 : memref<!tpu.dma_semaphore, #tpu.memory_space<semaphore_mem>>) src(%dma_wait3A_229 : memref<128x128xf32, #tpu.memory_space<vmem>>) dst(%dma_wait3A_226 : memref<128x128xf32, #tpu.memory_space<hbm>>)
    %add3A_230 = arith.constant 384 : i32
    %add3A_231 = arith.addi %mul3A_169, %add3A_230 : i32
    "tpu.region"() ({
      %run_scoped3A = tpu.sem_alloc : memref<!tpu.dma_semaphore, #tpu.memory_space<semaphore_mem>>
      %dma_start3A_310 = arith.constant 0 : i32
      %dma_start3A_311 = arith.constant 0 : i32
      %dma_start3A_312 = tpu.memref_slice %arg16[%dma_start3A_310, %dma_start3A_311] : memref<128x128xf32, #tpu.memory_space<vmem>> -> memref<128x128xf32, #tpu.memory_space<vmem>>
      %dma_start3A_313 = arith.constant 0 : i32
      %dma_start3A_314 = tpu.memref_slice %arg25[%add3A_231, %dma_start3A_313] : memref<10112x128xf32, #tpu.memory_space<vmem_shared>> -> memref<128x128xf32, #tpu.memory_space<vmem_shared>>
      %dma_start3A_315 = arith.constant 0 : i32
      %dma_start3A_316 = arith.constant 0 : i32
      %dma_start3A_317 = tpu.memref_slice %arg16[%dma_start3A_315, %dma_start3A_316] : memref<128x128xf32, #tpu.memory_space<vmem>> -> memref<128x128xf32, #tpu.memory_space<vmem>>
      %dma_start3A_318 = arith.constant 0 : i32
      %dma_start3A_319 = tpu.memref_slice %arg25[%add3A_231, %dma_start3A_318] : memref<10112x128xf32, #tpu.memory_space<vmem_shared>> -> memref<128x128xf32, #tpu.memory_space<vmem_shared>>
      tpu.enqueue_dma source(%dma_start3A_319 : memref<128x128xf32, #tpu.memory_space<vmem_shared>>) target(%dma_start3A_317 : memref<128x128xf32, #tpu.memory_space<vmem>>) target_semaphore(%run_scoped3A : memref<!tpu.dma_semaphore, #tpu.memory_space<semaphore_mem>>)
      %dma_wait3A_320 = arith.constant 0 : i32
      %dma_wait3A_321 = arith.constant 0 : i32
      %dma_wait3A_322 = tpu.memref_slice %arg16[%dma_wait3A_320, %dma_wait3A_321] : memref<128x128xf32, #tpu.memory_space<vmem>> -> memref<128x128xf32, #tpu.memory_space<vmem>>
      %dma_wait3A_323 = arith.constant 0 : i32
      %dma_wait3A_324 = tpu.memref_slice %arg25[%add3A_231, %dma_wait3A_323] : memref<10112x128xf32, #tpu.memory_space<vmem_shared>> -> memref<128x128xf32, #tpu.memory_space<vmem_shared>>
      %dma_wait3A_325 = arith.constant 0 : i32
      %dma_wait3A_326 = arith.constant 0 : i32
      %dma_wait3A_327 = tpu.memref_slice %arg16[%dma_wait3A_325, %dma_wait3A_326] : memref<128x128xf32, #tpu.memory_space<vmem>> -> memref<128x128xf32, #tpu.memory_space<vmem>>
      %dma_wait3A_328 = arith.constant 0 : i32
      %dma_wait3A_329 = tpu.memref_slice %arg25[%add3A_231, %dma_wait3A_328] : memref<10112x128xf32, #tpu.memory_space<vmem_shared>> -> memref<128x128xf32, #tpu.memory_space<vmem_shared>>
      tpu.wait_dma2 semaphore(%run_scoped3A : memref<!tpu.dma_semaphore, #tpu.memory_space<semaphore_mem>>) src(%dma_wait3A_329 : memref<128x128xf32, #tpu.memory_space<vmem_shared>>) dst(%dma_wait3A_327 : memref<128x128xf32, #tpu.memory_space<vmem>>)
      tpu.yield
    }) : () -> ()
    %add3A_232 = arith.constant 384 : i32
    %add3A_233 = arith.addi %mul3A_169, %add3A_232 : i32
    %dma_start3A_234 = arith.constant 0 : i32
    %dma_start3A_235 = arith.constant 0 : i32
    %dma_start3A_236 = tpu.memref_slice %arg16[%dma_start3A_234, %dma_start3A_235] : memref<128x128xf32, #tpu.memory_space<vmem>> -> memref<128x128xf32, #tpu.memory_space<vmem>>
    %dma_start3A_237 = arith.constant 0 : i32
    %dma_start3A_238 = tpu.memref_slice %arg7[%arg0, %add3A_233, %dma_start3A_237] : memref<2x10112x128xf32, #tpu.memory_space<hbm>> -> memref<1x128x128xf32, #tpu.memory_space<hbm>>
    %dma_start3A_239 = tpu.memref_squeeze %dma_start3A_238 : memref<1x128x128xf32, #tpu.memory_space<hbm>> -> memref<128x128xf32, #tpu.memory_space<hbm>>
    %dma_start3A_240 = arith.constant 0 : i32
    %dma_start3A_241 = tpu.memref_slice %arg7[%arg0, %add3A_233, %dma_start3A_240] : memref<2x10112x128xf32, #tpu.memory_space<hbm>> -> memref<1x128x128xf32, #tpu.memory_space<hbm>>
    %dma_start3A_242 = tpu.memref_squeeze %dma_start3A_241 : memref<1x128x128xf32, #tpu.memory_space<hbm>> -> memref<128x128xf32, #tpu.memory_space<hbm>>
    %dma_start3A_243 = arith.constant 0 : i32
    %dma_start3A_244 = arith.constant 0 : i32
    %dma_start3A_245 = tpu.memref_slice %arg16[%dma_start3A_243, %dma_start3A_244] : memref<128x128xf32, #tpu.memory_space<vmem>> -> memref<128x128xf32, #tpu.memory_space<vmem>>
    tpu.enqueue_dma source(%dma_start3A_245 : memref<128x128xf32, #tpu.memory_space<vmem>>) target(%dma_start3A_242 : memref<128x128xf32, #tpu.memory_space<hbm>>) target_semaphore(%arg22 : memref<!tpu.dma_semaphore, #tpu.memory_space<semaphore_mem>>)
    %dma_wait3A_246 = arith.constant 0 : i32
    %dma_wait3A_247 = arith.constant 0 : i32
    %dma_wait3A_248 = tpu.memref_slice %arg17[%dma_wait3A_246, %dma_wait3A_247] : memref<128x128xf32, #tpu.memory_space<vmem>> -> memref<128x128xf32, #tpu.memory_space<vmem>>
    %dma_wait3A_249 = arith.constant 0 : i32
    %dma_wait3A_250 = tpu.memref_slice %arg7[%arg0, %add3A_189, %dma_wait3A_249] : memref<2x10112x128xf32, #tpu.memory_space<hbm>> -> memref<1x128x128xf32, #tpu.memory_space<hbm>>
    %dma_wait3A_251 = tpu.memref_squeeze %dma_wait3A_250 : memref<1x128x128xf32, #tpu.memory_space<hbm>> -> memref<128x128xf32, #tpu.memory_space<hbm>>
    %dma_wait3A_252 = arith.constant 0 : i32
    %dma_wait3A_253 = tpu.memref_slice %arg7[%arg0, %add3A_189, %dma_wait3A_252] : memref<2x10112x128xf32, #tpu.memory_space<hbm>> -> memref<1x128x128xf32, #tpu.memory_space<hbm>>
    %dma_wait3A_254 = tpu.memref_squeeze %dma_wait3A_253 : memref<1x128x128xf32, #tpu.memory_space<hbm>> -> memref<128x128xf32, #tpu.memory_space<hbm>>
    %dma_wait3A_255 = arith.constant 0 : i32
    %dma_wait3A_256 = arith.constant 0 : i32
    %dma_wait3A_257 = tpu.memref_slice %arg17[%dma_wait3A_255, %dma_wait3A_256] : memref<128x128xf32, #tpu.memory_space<vmem>> -> memref<128x128xf32, #tpu.memory_space<vmem>>
    tpu.wait_dma2 semaphore(%arg23 : memref<!tpu.dma_semaphore, #tpu.memory_space<semaphore_mem>>) src(%dma_wait3A_257 : memref<128x128xf32, #tpu.memory_space<vmem>>) dst(%dma_wait3A_254 : memref<128x128xf32, #tpu.memory_space<hbm>>)
    %add3A_258 = arith.constant 512 : i32
    %add3A_259 = arith.addi %mul3A_169, %add3A_258 : i32
    "tpu.region"() ({
      %run_scoped3A = tpu.sem_alloc : memref<!tpu.dma_semaphore, #tpu.memory_space<semaphore_mem>>
      %dma_start3A_310 = arith.constant 0 : i32
      %dma_start3A_311 = arith.constant 0 : i32
      %dma_start3A_312 = tpu.memref_slice %arg17[%dma_start3A_310, %dma_start3A_311] : memref<128x128xf32, #tpu.memory_space<vmem>> -> memref<120x128xf32, #tpu.memory_space<vmem>>
      %dma_start3A_313 = arith.constant 0 : i32
      %dma_start3A_314 = tpu.memref_slice %arg25[%add3A_259, %dma_start3A_313] : memref<10112x128xf32, #tpu.memory_space<vmem_shared>> -> memref<120x128xf32, #tpu.memory_space<vmem_shared>>
      %dma_start3A_315 = arith.constant 0 : i32
      %dma_start3A_316 = arith.constant 0 : i32
      %dma_start3A_317 = tpu.memref_slice %arg17[%dma_start3A_315, %dma_start3A_316] : memref<128x128xf32, #tpu.memory_space<vmem>> -> memref<120x128xf32, #tpu.memory_space<vmem>>
      %dma_start3A_318 = arith.constant 0 : i32
      %dma_start3A_319 = tpu.memref_slice %arg25[%add3A_259, %dma_start3A_318] : memref<10112x128xf32, #tpu.memory_space<vmem_shared>> -> memref<120x128xf32, #tpu.memory_space<vmem_shared>>
      tpu.enqueue_dma source(%dma_start3A_319 : memref<120x128xf32, #tpu.memory_space<vmem_shared>>) target(%dma_start3A_317 : memref<120x128xf32, #tpu.memory_space<vmem>>) target_semaphore(%run_scoped3A : memref<!tpu.dma_semaphore, #tpu.memory_space<semaphore_mem>>)
      %dma_wait3A_320 = arith.constant 0 : i32
      %dma_wait3A_321 = arith.constant 0 : i32
      %dma_wait3A_322 = tpu.memref_slice %arg17[%dma_wait3A_320, %dma_wait3A_321] : memref<128x128xf32, #tpu.memory_space<vmem>> -> memref<120x128xf32, #tpu.memory_space<vmem>>
      %dma_wait3A_323 = arith.constant 0 : i32
      %dma_wait3A_324 = tpu.memref_slice %arg25[%add3A_259, %dma_wait3A_323] : memref<10112x128xf32, #tpu.memory_space<vmem_shared>> -> memref<120x128xf32, #tpu.memory_space<vmem_shared>>
      %dma_wait3A_325 = arith.constant 0 : i32
      %dma_wait3A_326 = arith.constant 0 : i32
      %dma_wait3A_327 = tpu.memref_slice %arg17[%dma_wait3A_325, %dma_wait3A_326] : memref<128x128xf32, #tpu.memory_space<vmem>> -> memref<120x128xf32, #tpu.memory_space<vmem>>
      %dma_wait3A_328 = arith.constant 0 : i32
      %dma_wait3A_329 = tpu.memref_slice %arg25[%add3A_259, %dma_wait3A_328] : memref<10112x128xf32, #tpu.memory_space<vmem_shared>> -> memref<120x128xf32, #tpu.memory_space<vmem_shared>>
      tpu.wait_dma2 semaphore(%run_scoped3A : memref<!tpu.dma_semaphore, #tpu.memory_space<semaphore_mem>>) src(%dma_wait3A_329 : memref<120x128xf32, #tpu.memory_space<vmem_shared>>) dst(%dma_wait3A_327 : memref<120x128xf32, #tpu.memory_space<vmem>>)
      tpu.yield
    }) : () -> ()
    %add3A_260 = arith.constant 512 : i32
    %add3A_261 = arith.addi %mul3A_169, %add3A_260 : i32
    %dma_start3A_262 = arith.constant 0 : i32
    %dma_start3A_263 = arith.constant 0 : i32
    %dma_start3A_264 = tpu.memref_slice %arg17[%dma_start3A_262, %dma_start3A_263] : memref<128x128xf32, #tpu.memory_space<vmem>> -> memref<120x128xf32, #tpu.memory_space<vmem>>
    %dma_start3A_265 = arith.constant 0 : i32
    %dma_start3A_266 = tpu.memref_slice %arg7[%arg0, %add3A_261, %dma_start3A_265] : memref<2x10112x128xf32, #tpu.memory_space<hbm>> -> memref<1x120x128xf32, #tpu.memory_space<hbm>>
    %dma_start3A_267 = tpu.memref_squeeze %dma_start3A_266 : memref<1x120x128xf32, #tpu.memory_space<hbm>> -> memref<120x128xf32, #tpu.memory_space<hbm>>
    %dma_start3A_268 = arith.constant 0 : i32
    %dma_start3A_269 = tpu.memref_slice %arg7[%arg0, %add3A_261, %dma_start3A_268] : memref<2x10112x128xf32, #tpu.memory_space<hbm>> -> memref<1x120x128xf32, #tpu.memory_space<hbm>>
    %dma_start3A_270 = tpu.memref_squeeze %dma_start3A_269 : memref<1x120x128xf32, #tpu.memory_space<hbm>> -> memref<120x128xf32, #tpu.memory_space<hbm>>
    %dma_start3A_271 = arith.constant 0 : i32
    %dma_start3A_272 = arith.constant 0 : i32
    %dma_start3A_273 = tpu.memref_slice %arg17[%dma_start3A_271, %dma_start3A_272] : memref<128x128xf32, #tpu.memory_space<vmem>> -> memref<120x128xf32, #tpu.memory_space<vmem>>
    tpu.enqueue_dma source(%dma_start3A_273 : memref<120x128xf32, #tpu.memory_space<vmem>>) target(%dma_start3A_270 : memref<120x128xf32, #tpu.memory_space<hbm>>) target_semaphore(%arg23 : memref<!tpu.dma_semaphore, #tpu.memory_space<semaphore_mem>>)
    %dma_wait3A_274 = arith.constant 0 : i32
    %dma_wait3A_275 = arith.constant 0 : i32
    %dma_wait3A_276 = tpu.memref_slice %arg18[%dma_wait3A_274, %dma_wait3A_275] : memref<128x128xf32, #tpu.memory_space<vmem>> -> memref<128x128xf32, #tpu.memory_space<vmem>>
    %dma_wait3A_277 = arith.constant 0 : i32
    %dma_wait3A_278 = tpu.memref_slice %arg7[%arg0, %add3A_205, %dma_wait3A_277] : memref<2x10112x128xf32, #tpu.memory_space<hbm>> -> memref<1x128x128xf32, #tpu.memory_space<hbm>>
    %dma_wait3A_279 = tpu.memref_squeeze %dma_wait3A_278 : memref<1x128x128xf32, #tpu.memory_space<hbm>> -> memref<128x128xf32, #tpu.memory_space<hbm>>
    %dma_wait3A_280 = arith.constant 0 : i32
    %dma_wait3A_281 = tpu.memref_slice %arg7[%arg0, %add3A_205, %dma_wait3A_280] : memref<2x10112x128xf32, #tpu.memory_space<hbm>> -> memref<1x128x128xf32, #tpu.memory_space<hbm>>
    %dma_wait3A_282 = tpu.memref_squeeze %dma_wait3A_281 : memref<1x128x128xf32, #tpu.memory_space<hbm>> -> memref<128x128xf32, #tpu.memory_space<hbm>>
    %dma_wait3A_283 = arith.constant 0 : i32
    %dma_wait3A_284 = arith.constant 0 : i32
    %dma_wait3A_285 = tpu.memref_slice %arg18[%dma_wait3A_283, %dma_wait3A_284] : memref<128x128xf32, #tpu.memory_space<vmem>> -> memref<128x128xf32, #tpu.memory_space<vmem>>
    tpu.wait_dma2 semaphore(%arg24 : memref<!tpu.dma_semaphore, #tpu.memory_space<semaphore_mem>>) src(%dma_wait3A_285 : memref<128x128xf32, #tpu.memory_space<vmem>>) dst(%dma_wait3A_282 : memref<128x128xf32, #tpu.memory_space<hbm>>)
    %dma_wait3A_286 = arith.constant 0 : i32
    %dma_wait3A_287 = arith.constant 0 : i32
    %dma_wait3A_288 = tpu.memref_slice %arg16[%dma_wait3A_286, %dma_wait3A_287] : memref<128x128xf32, #tpu.memory_space<vmem>> -> memref<128x128xf32, #tpu.memory_space<vmem>>
    %dma_wait3A_289 = arith.constant 0 : i32
    %dma_wait3A_290 = tpu.memref_slice %arg7[%arg0, %add3A_233, %dma_wait3A_289] : memref<2x10112x128xf32, #tpu.memory_space<hbm>> -> memref<1x128x128xf32, #tpu.memory_space<hbm>>
    %dma_wait3A_291 = tpu.memref_squeeze %dma_wait3A_290 : memref<1x128x128xf32, #tpu.memory_space<hbm>> -> memref<128x128xf32, #tpu.memory_space<hbm>>
    %dma_wait3A_292 = arith.constant 0 : i32
    %dma_wait3A_293 = tpu.memref_slice %arg7[%arg0, %add3A_233, %dma_wait3A_292] : memref<2x10112x128xf32, #tpu.memory_space<hbm>> -> memref<1x128x128xf32, #tpu.memory_space<hbm>>
    %dma_wait3A_294 = tpu.memref_squeeze %dma_wait3A_293 : memref<1x128x128xf32, #tpu.memory_space<hbm>> -> memref<128x128xf32, #tpu.memory_space<hbm>>
    %dma_wait3A_295 = arith.constant 0 : i32
    %dma_wait3A_296 = arith.constant 0 : i32
    %dma_wait3A_297 = tpu.memref_slice %arg16[%dma_wait3A_295, %dma_wait3A_296] : memref<128x128xf32, #tpu.memory_space<vmem>> -> memref<128x128xf32, #tpu.memory_space<vmem>>
    tpu.wait_dma2 semaphore(%arg22 : memref<!tpu.dma_semaphore, #tpu.memory_space<semaphore_mem>>) src(%dma_wait3A_297 : memref<128x128xf32, #tpu.memory_space<vmem>>) dst(%dma_wait3A_294 : memref<128x128xf32, #tpu.memory_space<hbm>>)
    %dma_wait3A_298 = arith.constant 0 : i32
    %dma_wait3A_299 = arith.constant 0 : i32
    %dma_wait3A_300 = tpu.memref_slice %arg17[%dma_wait3A_298, %dma_wait3A_299] : memref<128x128xf32, #tpu.memory_space<vmem>> -> memref<120x128xf32, #tpu.memory_space<vmem>>
    %dma_wait3A_301 = arith.constant 0 : i32
    %dma_wait3A_302 = tpu.memref_slice %arg7[%arg0, %add3A_261, %dma_wait3A_301] : memref<2x10112x128xf32, #tpu.memory_space<hbm>> -> memref<1x120x128xf32, #tpu.memory_space<hbm>>
    %dma_wait3A_303 = tpu.memref_squeeze %dma_wait3A_302 : memref<1x120x128xf32, #tpu.memory_space<hbm>> -> memref<120x128xf32, #tpu.memory_space<hbm>>
    %dma_wait3A_304 = arith.constant 0 : i32
    %dma_wait3A_305 = tpu.memref_slice %arg7[%arg0, %add3A_261, %dma_wait3A_304] : memref<2x10112x128xf32, #tpu.memory_space<hbm>> -> memref<1x120x128xf32, #tpu.memory_space<hbm>>
    %dma_wait3A_306 = tpu.memref_squeeze %dma_wait3A_305 : memref<1x120x128xf32, #tpu.memory_space<hbm>> -> memref<120x128xf32, #tpu.memory_space<hbm>>
    %dma_wait3A_307 = arith.constant 0 : i32
    %dma_wait3A_308 = arith.constant 0 : i32
    %dma_wait3A_309 = tpu.memref_slice %arg17[%dma_wait3A_307, %dma_wait3A_308] : memref<128x128xf32, #tpu.memory_space<vmem>> -> memref<120x128xf32, #tpu.memory_space<vmem>>
    tpu.wait_dma2 semaphore(%arg23 : memref<!tpu.dma_semaphore, #tpu.memory_space<semaphore_mem>>) src(%dma_wait3A_309 : memref<120x128xf32, #tpu.memory_space<vmem>>) dst(%dma_wait3A_306 : memref<120x128xf32, #tpu.memory_space<hbm>>)
    return
  }
}

module attributes {stable_mosaic.version = 14 : i64} {
  func.func @_tc_body(%arg0: i32, %arg1: memref<1000x128xf32, #tpu.memory_space<vmem>>, %arg2: memref<1x1000x128xf32, #tpu.memory_space<vmem>>, %arg3: memref<1x1000x128xf32, #tpu.memory_space<vmem>>, %arg4: memref<128x128xf32, #tpu.memory_space<vmem>>, %arg5: memref<128x128xf32, #tpu.memory_space<vmem>>, %arg6: memref<1x128xf32, #tpu.memory_space<vmem>>, %arg7: memref<1000x128xf32, #tpu.memory_space<vmem>>) attributes {dimension_semantics = [#tpu.dimension_semantics<arbitrary>], iteration_bounds = array<i64: 10>, scalar_prefetch = 0 : i64, scratch_operands = 0 : i64, tpu.core_type = #tpu.core_type<tc>, window_params = [{transform_indices = @transform_0, window_bounds = array<i64: 1000, 128>}, {transform_indices = @transform_1, window_bounds = array<i64: 1, 1000, 128>}, {transform_indices = @transform_2, window_bounds = array<i64: 1, 1000, 128>}, {pipeline_mode = #tpu.pipeline_mode<synchronous>, transform_indices = @transform_3, window_bounds = array<i64: 128, 128>}, {pipeline_mode = #tpu.pipeline_mode<synchronous>, transform_indices = @transform_4, window_bounds = array<i64: 128, 128>}, {pipeline_mode = #tpu.pipeline_mode<synchronous>, transform_indices = @transform_5, window_bounds = array<i64: 1, 128>}, {transform_indices = @transform_6, window_bounds = array<i64: 1000, 128>}]} {
    %get3A = arith.constant 0 : index
    %get3A_0 = arith.constant 0 : index
    %get3A_1 = arith.constant 0 : index
    %get3A_2 = vector.load %arg2[%get3A, %get3A_0, %get3A_1] : memref<1x1000x128xf32, #tpu.memory_space<vmem>>, vector<1x1000x128xf32>
    %get3A_3 = vector.shape_cast %get3A_2 : vector<1x1000x128xf32> to vector<1000x128xf32>
    %get3A_4 = arith.constant 0 : index
    %get3A_5 = arith.constant 0 : index
    %get3A_6 = arith.constant 0 : index
    %get3A_7 = vector.load %arg3[%get3A_4, %get3A_5, %get3A_6] : memref<1x1000x128xf32, #tpu.memory_space<vmem>>, vector<1x1000x128xf32>
    %get3A_8 = vector.shape_cast %get3A_7 : vector<1x1000x128xf32> to vector<1000x128xf32>
    %add3A = arith.addf %get3A_3, %get3A_8 : vector<1000x128xf32>
    %get3A_9 = arith.constant 0 : index
    %get3A_10 = arith.constant 0 : index
    %get3A_11 = vector.load %arg1[%get3A_9, %get3A_10] : memref<1000x128xf32, #tpu.memory_space<vmem>>, vector<1000x128xf32>
    %get3A_12 = arith.constant 0 : index
    %get3A_13 = arith.constant 0 : index
    %get3A_14 = vector.load %arg4[%get3A_12, %get3A_13] : memref<128x128xf32, #tpu.memory_space<vmem>>, vector<128x128xf32>
    %dot_general3A = arith.constant dense<0.000000e+00> : vector<1000x128xf32>
    %dot_general3A_15 = tpu.matmul %get3A_11, %get3A_14, %dot_general3A {dimension_numbers = #tpu.dot_dimension_numbers<[1], [0], [0], [1], [0, 0, 1, 1], [], []>, transpose_lhs_hint = false} : vector<1000x128xf32>, vector<128x128xf32>, vector<1000x128xf32> -> vector<1000x128xf32>
    %get3A_16 = arith.constant 0 : index
    %get3A_17 = arith.constant 0 : index
    %get3A_18 = vector.load %arg5[%get3A_16, %get3A_17] : memref<128x128xf32, #tpu.memory_space<vmem>>, vector<128x128xf32>
    %dot_general3A_19 = arith.constant dense<0.000000e+00> : vector<1000x128xf32>
    %dot_general3A_20 = tpu.matmul %add3A, %get3A_18, %dot_general3A_19 {dimension_numbers = #tpu.dot_dimension_numbers<[1], [0], [0], [1], [0, 0, 1, 1], [], []>, transpose_lhs_hint = false} : vector<1000x128xf32>, vector<128x128xf32>, vector<1000x128xf32> -> vector<1000x128xf32>
    %add3A_21 = arith.addf %dot_general3A_15, %dot_general3A_20 : vector<1000x128xf32>
    %get3A_22 = arith.constant 0 : index
    %get3A_23 = arith.constant 0 : index
    %get3A_24 = vector.load %arg6[%get3A_22, %get3A_23] : memref<1x128xf32, #tpu.memory_space<vmem>>, vector<1x128xf32>
    %add3A_25 = vector.broadcast %get3A_24 : vector<1x128xf32> to vector<1000x128xf32>
    %add3A_26 = arith.addf %add3A_21, %add3A_25 : vector<1000x128xf32>
    %swap3A = arith.constant 0 : index
    %swap3A_27 = arith.constant 0 : index
    %swap3A_28 = vector.load %arg7[%swap3A, %swap3A_27] : memref<1000x128xf32, #tpu.memory_space<vmem>>, vector<1000x128xf32>
    tpu.vector_store %arg7[%swap3A, %swap3A_27], %add3A_26 {strides = array<i32>} : memref<1000x128xf32, #tpu.memory_space<vmem>>, vector<1000x128xf32>,
    return
  }
  func.func @transform_0(%arg0: i32) -> (i32, i32) {
    %c0_i32 = arith.constant 0 : i32
    %c0_i32_0 = arith.constant 0 : i32
    return %arg0, %c0_i32 : i32, i32
  }
  func.func @transform_1(%arg0: i32) -> (i32, i32, i32) {
    %c0_i32 = arith.constant 0 : i32
    %c0_i32_0 = arith.constant 0 : i32
    %c0_i32_1 = arith.constant 0 : i32
    return %c0_i32, %arg0, %c0_i32_0 : i32, i32, i32
  }
  func.func @transform_2(%arg0: i32) -> (i32, i32, i32) {
    %c1_i32 = arith.constant 1 : i32
    %c0_i32 = arith.constant 0 : i32
    %c0_i32_0 = arith.constant 0 : i32
    return %c1_i32, %arg0, %c0_i32 : i32, i32, i32
  }
  func.func @transform_3(%arg0: i32) -> (i32, i32) {
    %c0_i32 = arith.constant 0 : i32
    %c0_i32_0 = arith.constant 0 : i32
    %c0_i32_1 = arith.constant 0 : i32
    return %c0_i32, %c0_i32_0 : i32, i32
  }
  func.func @transform_4(%arg0: i32) -> (i32, i32) {
    %c0_i32 = arith.constant 0 : i32
    %c0_i32_0 = arith.constant 0 : i32
    %c0_i32_1 = arith.constant 0 : i32
    return %c0_i32, %c0_i32_0 : i32, i32
  }
  func.func @transform_5(%arg0: i32) -> (i32, i32) {
    %c0_i32 = arith.constant 0 : i32
    %c0_i32_0 = arith.constant 0 : i32
    %c0_i32_1 = arith.constant 0 : i32
    return %c0_i32, %c0_i32_0 : i32, i32
  }
  func.func @transform_6(%arg0: i32) -> (i32, i32) {
    %c0_i32 = arith.constant 0 : i32
    %c0_i32_0 = arith.constant 0 : i32
    return %arg0, %c0_i32 : i32, i32
  }
}

</mosaic_0001>

<sc_bundles>
// kernel: kernel.4.cloned.1.call-start
scs
__scs_entry_jumppad:
0x0: {  	(pc) =	sbr.rel $0x88, $3  }
0x1: {  	(tag) =	ssettag $0x0;
	lr =	simm.s32 $0x1  }
0x2: {  	[smem:$0x3F9B] =	sst lr;
	_ =	strace $0xD0000000  }
0x3: {  	_ = 	snop  }
0x4: {  	_ = 	snop  }
0x5: {  	_ = 	snop  }
0x6: {  	_ = 	snop  }
0x7: {  	_ = 	snop  }
__scs_overlays_trampoline_lowered:
0x8: {  	[smem:$0x3FAA] =	sst s0  }
0x9: {  	[smem:$0x3FAB] =	sst s1  }
0xa: {  	[smem:$0x3FAC] =	sst s2  }
0xb: {  	[smem:$0x3FAD] =	sst s3  }
0xc: {  	[smem:$0x3FAE] =	sst s4  }
0xd: {  	[smem:$0x3FAF] =	sst s5  }
0xe: {  	[smem:$0x3FB0] =	sst s6  }
0xf: {  	[smem:$0x3FB1] =	sst s7  }
0x10: {  	[smem:$0x3FB2] =	sst s8  }
0x11: {  	[smem:$0x3FB3] =	sst s9;
	s0 =	simm.s32 @!p0 $0x0  }
0x12: {  	s1 =	sld [smem:$0x3F99];
	s0 =	simm.s32 @p0 $0x1  }
0x13: {  	[smem:$0x3FB4] =	sst s0;
	s0 =	simm.s32 @!p1 $0x0  }
0x14: {  	s2 =	sld [smem:$0x3F98];
	s0 =	simm.s32 @p1 $0x1  }
0x15: {  	[smem:$0x3FB5] =	sst s0;
	s0 =	simm.s32 @!p2 $0x0  }
0x16: {  	s3 =	sld [smem:$0x3FDB];
	s0 =	simm.s32 @p2 $0x1  }
0x17: {  	s4 =	simm.s32 $0x1BF5;
	[smem:$0x3FB7] =	sst s0  }
0x18: {  	s0 =	sld [smem:$0x3F9A];
	_ =	swait.ge [sflag:s4], $0x0  }
0x19: {  	s7 =	sld [smem:$0x3F9B]  }
0x1a: {  	s8 =	sadd.s32 $0xFFFFE003, lr  }
0x1b: {  	s9 =	sadd.s32 $0xFFFFFEF7, lr;
	s5 =	simm.s32 $0xFFFFFFFF;
	p2 =	slt.u32 s8, $0xFFFFF086  }
0x1c: {  	p1 =	slt.u32 s9, $0xF7A;
	s5 =	simm.s32 @!p2 $0x0  }
0x1d: {  	s5 =	simm.s32 @p1 $0x1;
	p0 =	seq.s32 s7, s2  }
0x1e: {  	s7 =	smul.u32 @!p0 $0xF7A, s2;
	p2 =	seq.s32 @!p0 s5, $0x0  }
0x1f: {  	s9 =	smul.u32 $0xF7A, s1;
	s8 =	simm.s32 @!p0 $0x1BF5;
	p2 =	por !p2, p0  }
0x20: {  	[sflag:s8] =	ssyncset.s32 @!p0 $0xFFFFF086;
	s6 =	sadd.s32 @!p0 s3, s7;
	s7 =	simm.s32 @!p0 $0x108  }
0x21: {  	s3 =	sadd.s32 s3, s9;
	s6 =	sadd.s32 @!p0 $0x88, s6;
	s7 =	simm.s32 @p2 $0x1082  }
0x22: {  	[simem:s7], [sflag:s8] =	dma.local @!p0 [hbm:s6], $0xF7A  }
0x23: {  	s9 =	sor.u32 $0xD0000000, s2;
	s6 =	simm.s32 $0x108;
	_ =	swait.ge @!p0 [sflag:s8], $0x0  }
0x24: {  	s3 =	sadd.s32 $0x88, s3;
	s6 =	simm.s32 @!p1 $0x1082;
	[sflag:s4] =	ssyncset.s32 $0xFFFFF086  }
0x25: {  	[simem:s6], [sflag:s4] =	dma.local [hbm:s3], $0xF7A  }
0x26: {  	[smem:$0x3F9B] =	sst s1;
	(tag) =	ssettag s2;
	_ =	strace s9  }
0x27: {  	s1 =	sld [smem:$0x3FAB]  }
0x28: {  	s2 =	sld [smem:$0x3FAC]  }
0x29: {  	s4 =	sld [smem:$0x3FAE]  }
0x2a: {  	p0 =	seq.s32 s5, $0x0;
	s5 =	sld [smem:$0x3FAF]  }
0x2b: {  	s6 =	sld [smem:$0x3FB0]  }
0x2c: {  	s7 =	sld [smem:$0x3FB1]  }
0x2d: {  	s3 =	simm.s32 $0x108;
	s8 =	sld [smem:$0x3FB2]  }
0x2e: {  	s3 =	simm.s32 @!p0 $0x1082;
	s9 =	sld [smem:$0x3FB3]  }
0x2f: {  	lr =	sadd.s32 s0, s3;
	s0 =	sld [smem:$0x3FAA]  }
0x30: {  	s3 =	sld [smem:$0x3FAD]  }
0x31: {  	[smem:$0x3FB6] =	sst s10  }
0x32: {  	s10 =	sld [smem:$0x3FB4];
	_ =	sdelay $0x3  }
0x33: {  	p0 =	seq.s32 s10, $0x1;
	s10 =	sld [smem:$0x3FB6];
	_ =	sdelay $0x3  }
0x34: {  	[smem:$0x3FB6] =	sst s10  }
0x35: {  	s10 =	sld [smem:$0x3FB5];
	_ =	sdelay $0x3  }
0x36: {  	p1 =	seq.s32 s10, $0x1;
	s10 =	sld [smem:$0x3FB6];
	_ =	sdelay $0x3  }
0x37: {  	[smem:$0x3FB6] =	sst s10  }
0x38: {  	s10 =	sld [smem:$0x3FB7]  }
0x39: {  	_ = 	snop;
	(pc) =	sbr.ind lr, $3  }
0x3a: {  	_ = 	snop  }
0x3b: {  	_ = 	snop  }
0x3c: {  	p2 =	seq.s32 s10, $0x1;
	s10 =	sld [smem:$0x3FB6]  }
0x3d: {  	_ =	shalt  }
0x3e: {  	_ =	shalt  }
0x3f: {  	_ =	shalt  }
0x40: {  	_ =	shalt  }
0x41: {  	_ =	shalt  }
0x42: {  	_ =	shalt  }
0x43: {  	_ =	shalt  }
0x44: {  	_ =	shalt  }
0x45: {  	_ =	shalt  }
0x46: {  	_ =	shalt  }
0x47: {  	_ =	shalt  }
0x48: {  	_ =	shalt  }
0x49: {  	_ =	shalt  }
0x4a: {  	_ =	shalt  }
0x4b: {  	_ =	shalt  }
0x4c: {  	_ =	shalt  }
0x4d: {  	_ =	shalt  }
0x4e: {  	_ =	shalt  }
0x4f: {  	_ =	shalt  }
0x50: {  	_ =	shalt  }
0x51: {  	_ =	shalt  }
0x52: {  	_ =	shalt  }
0x53: {  	_ =	shalt  }
0x54: {  	_ =	shalt  }
0x55: {  	_ =	shalt  }
0x56: {  	_ =	shalt  }
0x57: {  	_ =	shalt  }
0x58: {  	_ =	shalt  }
0x59: {  	_ =	shalt  }
0x5a: {  	_ =	shalt  }
0x5b: {  	_ =	shalt  }
0x5c: {  	_ =	shalt  }
0x5d: {  	_ =	shalt  }
0x5e: {  	_ =	shalt  }
0x5f: {  	_ =	shalt  }
0x60: {  	_ =	shalt  }
0x61: {  	_ =	shalt  }
0x62: {  	_ =	shalt  }
0x63: {  	_ =	shalt  }
0x64: {  	_ =	shalt  }
0x65: {  	_ =	shalt  }
0x66: {  	_ =	shalt  }
0x67: {  	_ =	shalt  }
0x68: {  	_ =	shalt  }
0x69: {  	_ =	shalt  }
0x6a: {  	_ =	shalt  }
0x6b: {  	_ =	shalt  }
0x6c: {  	_ =	shalt  }
0x6d: {  	_ =	shalt  }
0x6e: {  	_ =	shalt  }
0x6f: {  	_ =	shalt  }
0x70: {  	_ =	shalt  }
0x71: {  	_ =	shalt  }
0x72: {  	_ =	shalt  }
0x73: {  	_ =	shalt  }
0x74: {  	_ =	shalt  }
0x75: {  	_ =	shalt  }
0x76: {  	_ =	shalt  }
0x77: {  	_ =	shalt  }
0x78: {  	_ =	shalt  }
0x79: {  	_ =	shalt  }
0x7a: {  	_ =	shalt  }
0x7b: {  	_ =	shalt  }
0x7c: {  	_ =	shalt  }
0x7d: {  	_ =	shalt  }
0x7e: {  	_ =	shalt  }
0x7f: {  	_ =	shalt  }
0x80: {  	_ =	shalt  }
0x81: {  	_ =	shalt  }
0x82: {  	_ =	shalt  }
0x83: {  	_ =	shalt  }
0x84: {  	_ =	shalt  }
0x85: {  	_ =	shalt  }
0x86: {  	_ =	shalt  }
0x87: {  	_ =	shalt  }
.Lfunc_end0:
.L_simem_size_0:
called_computation_lowered:
.L_overlay_start_0:
0x88: {  	s2 =	sld [smem:$0x3FD9]  }
0x89: {  	s3 =	sld [smem:$0x3FFE];
	_ =	sdelay $0x1  }
0x8a: {  	s1 =	srdreg.scid  }
0x8b: {  	s0 =	sand.u32 $0x1, s1  }
0x8c: {  	s17 =	sshll.u32 s0, $0xA;
	s2 =	sadd.s32 s3, s2  }
0x8d: {  	s2 =	sadd.s32 s2, s17  }
0x8e: {  	[smem:$0x3FC2] =	sst s2  }
0x8f: {  	_ = 	snop  }
0x90: {  	s2 =	sld [smem:$0x3FC9]  }
0x91: {  	s18 =	sld [smem:$0x3FD0];
	(tm) =	ssettm $0x1  }
0x92: {  	s4 =	sld [smem:$0x3FFB];
	_ =	sdelay $0x3  }
0x93: {  	_ =	strace s4  }
0x94: {  	s4 =	sld [smem:$0x3FFC];
	_ =	sdelay $0x3  }
0x95: {  	_ =	strace s4  }
0x96: {  	s4 =	sld [smem:$0x3FFD];
	_ =	sdelay $0x3  }
0x97: {  	_ =	strace s4  }
0x98: {  	_ =	strace $0x8FFFFFFF  }
0x99: {  	s19 =	sld [smem:$0x3FDB];
	_ =	sdelay $0x1  }
0x9a: {  	s5 =	simm.s32 $_scs_section_size  }
0x9b: {  	s6 =	simm.s32 $_size__tile_overlayer_lowered;
	s7 =	simm.s32 $_tile_overlayer_lowered  }
0x9c: {  	s22 =	simm.s32 $0x1BFF;
	s21 =	sshll.u32 s7, $0x1;
	s4 =	sadd.s32 s5, s19  }
0x9d: {  	s8 =	simm.s32 $0x0;
	s20 =	sshll.u32 s6, $0x1;
	s6 =	sadd.s32 s21, s4  }
0x9e: {  	[timem:s8], [sflag:s22] =	dma.local [hbm:s6], s20  }
0x9f: {  	_ =	swait.ge [sflag:s22], s20  }
0xa0: {  	s5 =	ssub.s32 $0x0, s20;
	[sflag:s22] =	ssyncset.done $0x0  }
0xa1: {  	[sflag:s22] =	ssyncadd.s32 s5;
	_ =	sdelay $0x1  }
0xa2: {  	s23 =	simm.s32 $0x1B8B  }
0xa3: {  	_ =	swait.ge [sflag:s23], $0x1  }
0xa4: {  	[sflag:s23] =	ssyncset.done $0x0  }
0xa5: {  	s25 =	simm.s32 $0x1B8E;
	s24 =	sld [smem:$0x3FFE];
	[sflag:s23] =	ssyncadd.s32 $0xFFFFFFFF  }
0xa6: {  	s26 =	simm.s32 $execute0_lowered;
	[smem:$0x3FD2] =	sst s25  }
0xa7: {  	s6 =	sshll.u32 s26, $0x1;
	_ =	strace $0x80000046;
	[dreg:$0x1] =	wrdreg $0xFFFFFFFF  }
0xa8: {  	s28 =	simm.s32 $_size_execute0_lowered;
	s4 =	sadd.s32 s4, s6;
	[dreg:$0x0] =	wrdreg $0x0  }
0xa9: {  	s6 =	sshll.u32 s28, $0x1;
	[dreg:$0x2] =	wrdreg s4  }
0xaa: {  	[dreg:$0x3] =	wrdreg s6  }
0xab: {  	[dreg:$0x4] =	wrdreg $0xC0  }
0xac: {  	_ =	task [dreg:s8], $0x5FFFF  }
0xad: {  	[dreg:$0x1] =	wrdreg $0xFFFFFFFF  }
0xae: {  	[dreg:$0x0] =	wrdreg $0x60  }
0xaf: {  	[dreg:$0x2] =	wrdreg s24  }
0xb0: {  	[dreg:$0x3] =	wrdreg s18  }
0xb1: {  	[dreg:$0x4] =	wrdreg s2  }
0xb2: {  	[dreg:$0x5] =	wrdreg $0xC4000  }
0xb3: {  	[dreg:$0x6] =	wrdreg $0x9  }
0xb4: {  	_ =	task.clear_ibuf [dreg:s8], $0x7FFFF;
	_ =	strace $0x90000046  }
0xb5: {  	s29 =	simm.s32 $0x9;
	_ =	strace $0x80000048  }
0xb6: {  	_ =	swait.ge [sflag:s29], $0x1  }
0xb7: {  	[sflag:s29] =	ssyncadd.s32 $0xFFFFFFFF  }
0xb8: {  	_ =	strace $0x90000048  }
0xb9: {  	_ =	sfence  }
0xba: {  	s30 =	sld [smem:$0x0];
	_ =	sdelay $0x2  }
0xbb: {  	s31 =	sshll.u32 s1, $0xD;
	s1 =	sshrl.u32 s1, $0x2  }
0xbc: {  	s3 =	sand.u32 $0x4000, s31;
	s1 =	sadd.s32 s1, s30  }
0xbd: {  	s0 =	sor.u32 s3, s0;
	s1 =	sshll.u32 s1, $0x11  }
0xbe: {  	s0 =	sor.u32 s1, s0  }
0xbf: {  	s0 =	sadd.s32 $0x8F2B, s0  }
0xc0: {  	[sflag:s0] =	ssyncadd.remote.s32 $0x1  }
0xc1: {  	_ =	sfence.sel $0xFFFF  }
0xc2: {  	[dreg:$0x0] =	wrdreg $0xFFFFFFFF;
	(pc) =	sbr.abs _section_cstart, $3  }
0xc3: {  	[dreg:$0x1] =	wrdreg $0xFFFFFFFF  }
0xc4: {  	_ =	task.clear_ibuf [dreg:s8], $0x2FFFF;
	_ =	strace $0x9FFFFFFF  }
0xc5: {  	(tm) =	ssettm $0x7FFFFFFF  }
tec
execute0_lowered:
.L_overlay_start_1:
0x0: {  	(tag) =	ssettag $0x1  }
0x1: {  	s4 =	rddreg [dreg:$0x0]  }
0x2: {  	s0 =	rddreg [dreg:$0x1]  }
0x3: {  	s1 =	rddreg [dreg:$0x2]  }
0x4: {  	s2 =	rddreg [dreg:$0x3];
	s3 =	simm.s32 $0x0  }
0x5: {  	s7 =	srdreg.scid;
	s20 =	stileid.u32;
	s28 =	simm.s32 $0x1  }
0x6: {  	s29 =	simm.s32 $0x2;
	s30 =	simm.s32 $0x3;
	s31 =	simm.s32 $0x80  }
0x7: {  	[smem:$0x7FF] =	sst s3;
	s6 =	sadd.s32 $0xE00, s4;
	s5 =	sadd.s32 $0xAC00, s4  }
0x8: {  	s7 =	sand.u32 $0x1, s7;
	s8 =	sadd.s32 $0xB200, s4;
	s9 =	smul.u32 $0x4F000, s20  }
0x9: {  	s4 =	sadd.s32 $0xBA00, s4;
	s12 =	smul.u32 $0x13C00, s20;
	s24 =	sshll.u32 s20, $0x1  }
0xa: {  	s26 =	smul.u32 $0x4E20, s20;
	_ =	strace $0x80000047;
	[dreg:$0x6] =	wrdreg s8  }
0xb: {  	s23 =	ssub.s32 $0x2, s7;
	s25 =	sor.u32 s7, s24;
	s17 =	smul.u32 $0x13C000, s7  }
0xc: {  	s7 =	smul.u32 $0x2710, s7;
	s10 =	sshrl.u32 s23, $0x1;
	s9 =	sshrl.u32 s9, $0x2  }
0xd: {  	s14 =	sadd.s32 $0x4000, s12;
	s15 =	sadd.s32 $0x8000, s12;
	s19 =	smul.u32 $0x2710, s25  }
0xe: {  	s16 =	sadd.s32 $0xC000, s12;
	s18 =	sadd.s32 $0x10000, s12;
	s13 =	ssub.s32 s23, s10  }
0xf: {  	s8 =	sadd.s32 s9, s2;
	s21 =	sadd.s32 s14, s2;
	s10 =	sadd.s32 s15, s2  }
0x10: {  	s11 =	sadd.s32 s16, s2;
	s9 =	sadd.s32 s18, s2;
	s12 =	sadd.s32 s12, s17  }
0x11: {  	s14 =	sadd.s32 s17, s14;
	s15 =	sadd.s32 s17, s15;
	s16 =	sadd.s32 s17, s16  }
0x12: {  	s17 =	sadd.s32 s17, s18;
	s7 =	sadd.s32 s7, s26;
	s19 =	sshrl.u32 s19, $0x3  }
0x13: {  	s12 =	sshrl.u32 s12, $0x3;
	s14 =	sshrl.u32 s14, $0x3;
	[dreg:$0x7] =	wrdreg s11  }
0x14: {  	s15 =	sshrl.u32 s15, $0x3;
	s18 =	smov.u32 s21;
	[dreg:$0x8] =	wrdreg s10  }
0x15: {  	s20 =	sadd.s32 $0x100, s7;
	s24 =	sadd.s32 $0x80, s7;
	[dreg:$0x9] =	wrdreg s9  }
0x16: {  	s26 =	sshrl.u32 s7, $0x3;
	[dreg:$0xa] =	wrdreg s8;
	s19 =	sadd.s32 $0x4E0, s19  }
0x17: {  	s12 =	sadd.s32 s4, s12;
	s14 =	sadd.s32 s4, s14;
	s15 =	sadd.s32 s4, s15  }
0x18: {  	s21 =	sshrl.u32 s20, $0x3;
	s25 =	sshrl.u32 s24, $0x3;
	[dreg:$0xd] =	wrdreg s12  }
0x19: {  	s24 =	sadd.s32 s26, s6;
	s22 =	sadd.s32 s6, s19;
	[dreg:$0xe] =	wrdreg s14  }
0x1a: {  	s19 =	sadd.s32 s0, s19;
	[dreg:$0xf] =	wrdreg s15;
	s12 =	sshrl.u32 s16, $0x3  }
0x1b: {  	s14 =	sshrl.u32 s17, $0x3;
	s23 =	sadd.s32 s21, s0;
	s20 =	sadd.s32 s21, s6  }
0x1c: {  	s21 =	sadd.s32 s25, s0;
	s15 =	simm.s32 $0x4;
	[dreg:$0xb] =	wrdreg s22  }
0x1d: {  	s16 =	simm.s32 $0x5;
	s17 =	simm.s32 $0x6;
	[dreg:$0xc] =	wrdreg s19  }
0x1e: {  	s12 =	sadd.s32 s4, s12;
	s4 =	sadd.s32 s4, s14;
	s22 =	smax.u32 s13, $0x1  }
0x1f: {  	[dreg:$0x5] =	wrdreg s23;
	s23 =	sadd.s32 s26, s0;
	s26 =	simm.s32 $0x7  }
0x20: {  	s0 =	simm.s32 $0x180;
	s13 =	simm.s32 $0x4400;
	[dreg:$0x10] =	wrdreg s12  }
0x21: {  	s14 =	simm.s32 $0x8400;
	s19 =	simm.s32 $0x0;
	[dreg:$0x11] =	wrdreg s4  }
0x22: {  	[dreg:$0x12] =	wrdreg s22;
	s22 =	sadd.s32 s25, s6;
	s25 =	simm.s32 $0x400  }
0x23: {  	s4 =	simm.s32 $0x200;
	s6 =	simm.s32 $0x100;
	s12 =	simm.s32 $0x280  }
.LBB2_1:
0x24: {  	s7 =	rddreg [dreg:$0x6]  }
0x25: {  	[tilespmem:s25], [sflag:$0x7] =	stream.linear.gather [hbm4b:s7+s3], $0x4000, $0x38;
	v63 =	vld [tilespmem:$0x0]  }
0x26: {  	_ =	swait.ge [sflag:s26], $0x4000  }
0x27: {  	[sflag:s26] =	ssyncset.done $0x0  }
0x28: {  	[sflag:s26] =	ssyncadd.s32 $0xFFFFC000  }
0x29: {  	[spmem:s8] =	stream.linear.scatter [tilespmem:s25], [sflag:$0x1], $0x4000, $0x38;
	v63 =	vld [tilespmem:$0x0]  }
0x2a: {  	_ = 	snop  }
0x2b: {  	[spmem:s18] =	stream.linear.scatter [tilespmem:s25], [sflag:$0x2], $0x4000, $0x38;
	v63 =	vld [tilespmem:$0x0]  }
0x2c: {  	s8 =	smov.u32 s10  }
0x2d: {  	[spmem:s8] =	stream.linear.scatter [tilespmem:s25], [sflag:$0x3], $0x4000, $0x38;
	v63 =	vld [tilespmem:$0x0]  }
0x2e: {  	_ = 	snop  }
0x2f: {  	[spmem:s11] =	stream.linear.scatter [tilespmem:s25], [sflag:$0x1], $0x4000, $0x38;
	v63 =	vld [tilespmem:$0x0]  }
0x30: {  	_ = 	snop  }
0x31: {  	[spmem:s9] =	stream.linear.scatter [tilespmem:s25], [sflag:$0x2], $0x3C00, $0x38;
	v63 =	vld [tilespmem:$0x0]  }
0x32: {  	_ =	swait.ge [sflag:s28], $0x4000  }
0x33: {  	[sflag:s28] =	ssyncset.done $0x0  }
0x34: {  	[sflag:s28] =	ssyncadd.s32 $0xFFFFC000  }
0x35: {  	_ =	swait.ge [sflag:s29], $0x4000  }
0x36: {  	[sflag:s29] =	ssyncset.done $0x0  }
0x37: {  	[sflag:s29] =	ssyncadd.s32 $0xFFFFC000  }
0x38: {  	_ =	swait.ge [sflag:s30], $0x4000  }
0x39: {  	[sflag:s30] =	ssyncset.done $0x0  }
0x3a: {  	[sflag:s30] =	ssyncadd.s32 $0xFFFFC000  }
0x3b: {  	_ =	swait.ge [sflag:s28], $0x4000  }
0x3c: {  	[sflag:s28] =	ssyncset.done $0x0  }
0x3d: {  	[sflag:s28] =	ssyncadd.s32 $0xFFFFC000  }
0x3e: {  	_ =	swait.ge [sflag:s29], $0x3C00  }
0x3f: {  	[sflag:s29] =	ssyncset.done $0x0  }
0x40: {  	p0 =	por $0x1, $0x1;
	[sflag:s29] =	ssyncadd.s32 $0xFFFFC400  }
0x41: {  	s7 =	simm.s32 @!p0 $0x4;
	[bflag:$0x0] =	sbarrier.arrive $0xFFFF  }
0x42: {  	_ =	swait.ge @!p0 [sflag:s7], $0x4000  }
0x43: {  	[sflag:s7] =	ssyncset.done @!p0 $0x0  }
0x44: {  	s11 =	sadd.s32 $0x0, s24;
	[sflag:s7] =	ssyncadd.s32 @!p0 $0xFFFFC000  }
0x45: {  	[tilespmem:s3], [sflag:$0x7] =	stream.linear.gather [hbm4b:s11+s3], $0x80, $0x38;
	v63 =	vld [tilespmem:$0x0]  }
0x46: {  	_ =	swait.ge [sflag:s26], $0x80  }
0x47: {  	[sflag:s26] =	ssyncset.done $0x0  }
0x48: {  	s7 =	simm.s32 @!p0 $0x5;
	[sflag:s26] =	ssyncadd.s32 $0xFFFFFF80  }
0x49: {  	[tilespmem:s0], [sflag:$0x1] =	stream.indirect.gather [hbm4b:s5+s31], $0x1, s3, s31, $0xb8;
	v63 =	vld [tilespmem:$0x0]  }
0x4a: {  	_ =	swait.ge @!p0 [sflag:s7], $0x4000  }
0x4b: {  	[sflag:s7] =	ssyncset.done @!p0 $0x0  }
0x4c: {  	s10 =	smov.u32 s18;
	s18 =	sadd.s32 $0x0, s22;
	[sflag:s7] =	ssyncadd.s32 @!p0 $0xFFFFC000  }
0x4d: {  	[tilespmem:s31], [sflag:$0x7] =	stream.linear.gather [hbm4b:s18+s3], $0x80, $0x38;
	v63 =	vld [tilespmem:$0x0]  }
0x4e: {  	_ =	swait.ge [sflag:s26], $0x80  }
0x4f: {  	[sflag:s26] =	ssyncset.done $0x0  }
0x50: {  	s7 =	simm.s32 @!p0 $0x6;
	[sflag:s26] =	ssyncadd.s32 $0xFFFFFF80  }
0x51: {  	[tilespmem:s4], [sflag:$0x2] =	stream.indirect.gather [hbm4b:s5+s31], $0x1, s31, s31, $0xb8;
	v63 =	vld [tilespmem:$0x0]  }
0x52: {  	_ =	swait.ge @!p0 [sflag:s7], $0x4000  }
0x53: {  	[sflag:s7] =	ssyncset.done @!p0 $0x0  }
0x54: {  	s8 =	sadd.s32 $0x0, s20;
	[sflag:s7] =	ssyncadd.s32 @!p0 $0xFFFFC000  }
0x55: {  	[tilespmem:s6], [sflag:$0x7] =	stream.linear.gather [hbm4b:s8+s3], $0x80, $0x38;
	v63 =	vld [tilespmem:$0x0]  }
0x56: {  	_ =	swait.ge [sflag:s26], $0x80  }
0x57: {  	[sflag:s26] =	ssyncset.done $0x0  }
0x58: {  	[sflag:s26] =	ssyncadd.s32 $0xFFFFFF80  }
0x59: {  	[tilespmem:s12], [sflag:$0x3] =	stream.indirect.gather [hbm4b:s5+s31], $0x1, s6, s31, $0xb8;
	v63 =	vld [tilespmem:$0x0]  }
0x5a: {  	_ =	swait.ge [sflag:s28], $0x80  }
0x5b: {  	[sflag:s28] =	ssyncset.done $0x0  }
0x5c: {  	s9 =	sadd.s32 $0x0, s23;
	[sflag:s28] =	ssyncadd.s32 $0xFFFFFF80  }
0x5d: {  	[tilespmem:s3], [sflag:$0x7] =	stream.linear.gather [hbm4b:s9+s3], $0x80, $0x38;
	v63 =	vld [tilespmem:$0x0]  }
0x5e: {  	_ =	swait.ge [sflag:s26], $0x80  }
0x5f: {  	[sflag:s26] =	ssyncset.done $0x0  }
0x60: {  	[sflag:s26] =	ssyncadd.s32 $0xFFFFFF80  }
0x61: {  	v0 =	vld [tilespmem:$0x20]  }
0x62: {  	v1 =	vld [tilespmem:$0x50]  }
0x63: {  	v2 =	vld [tilespmem:$0x60]  }
0x64: {  	v3 =	vld [tilespmem:$0x0]  }
0x65: {  	v4 =	vld [tilespmem:$0x10]  }
0x66: {  	v5 =	vld [tilespmem:$0x70];
	vm0 =	vlt.s32 v0, $0x2710  }
0x67: {  	v6 =	vld [tilespmem:$0x30];
	vm14 =	vlt.s32 v1, $0x2710;
	v0 =	vnsel vm0, $0x2710, v0  }
0x68: {  	v7 =	vld [tilespmem:$0x40];
	vm15 =	vlt.s32 v2, $0x2710;
	v44 =	vnsel vm14, $0x2710, v1;
	[tilespmem:$0x20] =	vst v0  }
0x69: {  	vm1 =	vlt.s32 v3, $0x2710;
	v45 =	vnsel vm15, $0x2710, v2;
	[tilespmem:$0x50] =	vst v44  }
0x6a: {  	vm4 =	vlt.s32 v4, $0x2710;
	v46 =	vnsel vm1, $0x2710, v3;
	[tilespmem:$0x60] =	vst v45  }
0x6b: {  	vm5 =	vlt.s32 v5, $0x2710;
	v47 =	vnsel vm4, $0x2710, v4;
	[tilespmem:$0x0] =	vst v46  }
0x6c: {  	vm6 =	vlt.s32 v6, $0x2710;
	v48 =	vnsel vm5, $0x2710, v5;
	[tilespmem:$0x10] =	vst v47  }
0x6d: {  	vm7 =	vlt.s32 v7, $0x2710;
	v49 =	vnsel vm6, $0x2710, v6;
	[tilespmem:$0x70] =	vst v48  }
0x6e: {  	v50 =	vnsel vm7, $0x2710, v7;
	[tilespmem:$0x30] =	vst v49  }
0x6f: {  	[tilespmem:$0x40] =	vst v50  }
0x70: {  	[tilespmem:s25], [sflag:$0x1] =	stream.indirect.gather [hbm4b:s1+s31], $0x80, s0, s31, $0xb8;
	v63 =	vld [tilespmem:$0x0]  }
0x71: {  	_ =	swait.ge [sflag:s29], $0x80  }
0x72: {  	[sflag:s29] =	ssyncset.done $0x0  }
0x73: {  	s11 =	sadd.s32 $0x0, s21;
	[sflag:s29] =	ssyncadd.s32 $0xFFFFFF80  }
0x74: {  	[tilespmem:s31], [sflag:$0x7] =	stream.linear.gather [hbm4b:s11+s3], $0x80, $0x38;
	v63 =	vld [tilespmem:$0x0]  }
0x75: {  	_ =	swait.ge [sflag:s26], $0x80  }
0x76: {  	[sflag:s26] =	ssyncset.done $0x0  }
0x77: {  	[sflag:s26] =	ssyncadd.s32 $0xFFFFFF80  }
0x78: {  	v51 =	vld [tilespmem:$0x80]  }
0x79: {  	v52 =	vld [tilespmem:$0xF0]  }
0x7a: {  	v53 =	vld [tilespmem:$0xA0]  }
0x7b: {  	v54 =	vld [tilespmem:$0xB0]  }
0x7c: {  	v55 =	vld [tilespmem:$0xC0]  }
0x7d: {  	v56 =	vld [tilespmem:$0xE0];
	vm8 =	vlt.s32 v51, $0x2710  }
0x7e: {  	v57 =	vld [tilespmem:$0xD0];
	vm9 =	vlt.s32 v52, $0x2710;
	v0 =	vnsel vm8, $0x2710, v51  }
0x7f: {  	v58 =	vld [tilespmem:$0x90];
	vm10 =	vlt.s32 v53, $0x2710;
	v1 =	vnsel vm9, $0x2710, v52;
	[tilespmem:$0x80] =	vst v0  }
0x80: {  	vm11 =	vlt.s32 v54, $0x2710;
	v2 =	vnsel vm10, $0x2710, v53;
	[tilespmem:$0xF0] =	vst v1  }
0x81: {  	vm12 =	vlt.s32 v55, $0x2710;
	v59 =	vnsel vm11, $0x2710, v54;
	[tilespmem:$0xA0] =	vst v2  }
0x82: {  	vm13 =	vlt.s32 v56, $0x2710;
	v60 =	vnsel vm12, $0x2710, v55;
	[tilespmem:$0xB0] =	vst v59  }
0x83: {  	vm14 =	vlt.s32 v57, $0x2710;
	v61 =	vnsel vm13, $0x2710, v56;
	[tilespmem:$0xC0] =	vst v60  }
0x84: {  	vm15 =	vlt.s32 v58, $0x2710;
	v62 =	vnsel vm14, $0x2710, v57;
	[tilespmem:$0xE0] =	vst v61  }
0x85: {  	v0 =	vnsel vm15, $0x2710, v58;
	[tilespmem:$0xD0] =	vst v62  }
0x86: {  	[tilespmem:$0x90] =	vst v0  }
0x87: {  	[tilespmem:s13], [sflag:$0x2] =	stream.indirect.gather [hbm4b:s1+s31], $0x80, s4, s31, $0xb8;
	v63 =	vld [tilespmem:$0x0]  }
0x88: {  	_ =	swait.ge [sflag:s30], $0x80  }
0x89: {  	s18 =	rddreg [dreg:$0x5];
	[sflag:s30] =	ssyncset.done $0x0  }
0x8a: {  	[sflag:s30] =	ssyncadd.s32 $0xFFFFFF80;
	s7 =	sadd.s32 $0x0, s18  }
0x8b: {  	[tilespmem:s6], [sflag:$0x7] =	stream.linear.gather [hbm4b:s7+s3], $0x80, $0x38;
	v63 =	vld [tilespmem:$0x0]  }
0x8c: {  	_ =	swait.ge [sflag:s26], $0x80  }
0x8d: {  	[sflag:s26] =	ssyncset.done $0x0  }
0x8e: {  	s18 =	simm.s32 $0x30;
	[sflag:s26] =	ssyncadd.s32 $0xFFFFFF80  }
.LBB2_2:
0x8f: {  	v0 =	vld [tilespmem:$0x170]  }
0x90: {  	v1 =	vld [tilespmem:$0x160]  }
0x91: {  	v2 =	vld [tilespmem:$0x150]  }
0x92: {  	v3 =	vld [tilespmem:$0x140]  }
0x93: {  	v4 =	vld [tilespmem:$0x130]  }
0x94: {  	v5 =	vld [tilespmem:$0x120];
	vm0 =	vlt.s32 v0, $0x2710  }
0x95: {  	v6 =	vld [tilespmem:$0x110];
	vm1 =	vlt.s32 v1, $0x2710;
	v0 =	vnsel vm0, $0x2710, v0  }
0x96: {  	v7 =	vld [tilespmem:$0x100];
	vm7 =	vlt.s32 v2, $0x2710;
	v1 =	vnsel vm1, $0x2710, v1;
	[tilespmem:$0x170] =	vst v0  }
0x97: {  	vm8 =	vlt.s32 v3, $0x2710;
	v32 =	vnsel vm7, $0x2710, v2;
	[tilespmem:$0x160] =	vst v1  }
0x98: {  	vm9 =	vlt.s32 v4, $0x2710;
	v33 =	vnsel vm8, $0x2710, v3;
	[tilespmem:$0x150] =	vst v32  }
0x99: {  	vm10 =	vlt.s32 v5, $0x2710;
	v34 =	vnsel vm9, $0x2710, v4;
	[tilespmem:$0x140] =	vst v33  }
0x9a: {  	vm11 =	vlt.s32 v6, $0x2710;
	v35 =	vnsel vm10, $0x2710, v5;
	[tilespmem:$0x130] =	vst v34  }
0x9b: {  	vm12 =	vlt.s32 v7, $0x2710;
	v36 =	vnsel vm11, $0x2710, v6;
	[tilespmem:$0x120] =	vst v35  }
0x9c: {  	v37 =	vnsel vm12, $0x2710, v7;
	[tilespmem:$0x110] =	vst v36  }
0x9d: {  	[tilespmem:$0x100] =	vst v37  }
0x9e: {  	[tilespmem:s14], [sflag:$0x3] =	stream.indirect.gather [hbm4b:s1+s31], $0x80, s12, s31, $0xb8;
	v63 =	vld [tilespmem:$0x0]  }
0x9f: {  	_ =	swait.ge [sflag:s28], $0x4000  }
0xa0: {  	[sflag:s28] =	ssyncset.done $0x0  }
0xa1: {  	[sflag:s28] =	ssyncadd.s32 $0xFFFFC000  }
0xa2: {  	[spmem:s2] =	stream.indirect.scatter.add.f32 [tilespmem:s25], [sflag:$0x4], $0x80, s3, s31, $0xb8;
	v63 =	vld [tilespmem:$0x0]  }
0xa3: {  	_ =	swait.ge [sflag:s29], $0x4000  }
0xa4: {  	[sflag:s29] =	ssyncset.done $0x0  }
0xa5: {  	[sflag:s29] =	ssyncadd.s32 $0xFFFFC000  }
0xa6: {  	[spmem:s2] =	stream.indirect.scatter.add.f32 [tilespmem:s13], [sflag:$0x5], $0x80, s31, s31, $0xb8;
	v63 =	vld [tilespmem:$0x0]  }
0xa7: {  	s7 =	smov.u32 s18;
	_ =	swait.ge [sflag:s30], $0x4000  }
0xa8: {  	p1 =	seq.s32 s7, $0x0;
	[sflag:s30] =	ssyncset.done $0x0  }
0xa9: {  	s8 =	simm.s32 @!p1 $0x4;
	[sflag:s30] =	ssyncadd.s32 $0xFFFFC000  }
0xaa: {  	[spmem:s2] =	stream.indirect.scatter.add.f32 [tilespmem:s14], [sflag:$0x6], $0x80, s6, s31, $0xb8;
	v63 =	vld [tilespmem:$0x0]  }
0xab: {  	_ =	swait.ge @!p1 [sflag:s8], $0x4000  }
0xac: {  	[sflag:s8] =	ssyncset.done @!p1 $0x0  }
0xad: {  	s9 =	sadd.s32 s7, s24;
	[sflag:s8] =	ssyncadd.s32 @!p1 $0xFFFFC000  }
0xae: {  	[tilespmem:s3], [sflag:$0x7] =	stream.linear.gather [hbm4b:s9+s3], $0x80, $0x38;
	v63 =	vld [tilespmem:$0x0]  }
0xaf: {  	_ =	swait.ge [sflag:s26], $0x80  }
0xb0: {  	[sflag:s26] =	ssyncset.done $0x0  }
0xb1: {  	s8 =	simm.s32 @!p1 $0x5;
	[sflag:s26] =	ssyncadd.s32 $0xFFFFFF80  }
0xb2: {  	[tilespmem:s0], [sflag:$0x1] =	stream.indirect.gather [hbm4b:s5+s31], $0x1, s3, s31, $0xb8;
	v63 =	vld [tilespmem:$0x0]  }
0xb3: {  	_ =	swait.ge @!p1 [sflag:s8], $0x4000  }
0xb4: {  	[sflag:s8] =	ssyncset.done @!p1 $0x0  }
0xb5: {  	s11 =	sadd.s32 s7, s22;
	[sflag:s8] =	ssyncadd.s32 @!p1 $0xFFFFC000  }
0xb6: {  	[tilespmem:s31], [sflag:$0x7] =	stream.linear.gather [hbm4b:s11+s3], $0x80, $0x38;
	v63 =	vld [tilespmem:$0x0]  }
0xb7: {  	_ =	swait.ge [sflag:s26], $0x80  }
0xb8: {  	[sflag:s26] =	ssyncset.done $0x0  }
0xb9: {  	s8 =	simm.s32 @!p1 $0x6;
	[sflag:s26] =	ssyncadd.s32 $0xFFFFFF80  }
0xba: {  	[tilespmem:s4], [sflag:$0x2] =	stream.indirect.gather [hbm4b:s5+s31], $0x1, s31, s31, $0xb8;
	v63 =	vld [tilespmem:$0x0]  }
0xbb: {  	_ =	swait.ge @!p1 [sflag:s8], $0x4000  }
0xbc: {  	[sflag:s8] =	ssyncset.done @!p1 $0x0  }
0xbd: {  	s9 =	sadd.s32 s7, s20;
	[sflag:s8] =	ssyncadd.s32 @!p1 $0xFFFFC000  }
0xbe: {  	[tilespmem:s6], [sflag:$0x7] =	stream.linear.gather [hbm4b:s9+s3], $0x80, $0x38;
	v63 =	vld [tilespmem:$0x0]  }
0xbf: {  	_ =	swait.ge [sflag:s26], $0x80  }
0xc0: {  	[sflag:s26] =	ssyncset.done $0x0  }
0xc1: {  	[sflag:s26] =	ssyncadd.s32 $0xFFFFFF80  }
0xc2: {  	[tilespmem:s12], [sflag:$0x3] =	stream.indirect.gather [hbm4b:s5+s31], $0x1, s6, s31, $0xb8;
	v63 =	vld [tilespmem:$0x0]  }
0xc3: {  	_ =	swait.ge [sflag:s28], $0x80  }
0xc4: {  	[sflag:s28] =	ssyncset.done $0x0  }
0xc5: {  	s11 =	sadd.s32 s7, s23;
	[sflag:s28] =	ssyncadd.s32 $0xFFFFFF80  }
0xc6: {  	[tilespmem:s3], [sflag:$0x7] =	stream.linear.gather [hbm4b:s11+s3], $0x80, $0x38;
	v63 =	vld [tilespmem:$0x0]  }
0xc7: {  	_ =	swait.ge [sflag:s26], $0x80  }
0xc8: {  	[sflag:s26] =	ssyncset.done $0x0  }
0xc9: {  	[sflag:s26] =	ssyncadd.s32 $0xFFFFFF80  }
0xca: {  	v40 =	vld [tilespmem:$0x20]  }
0xcb: {  	v41 =	vld [tilespmem:$0x50]  }
0xcc: {  	v39 =	vld [tilespmem:$0x60]  }
0xcd: {  	v43 =	vld [tilespmem:$0x0]  }
0xce: {  	v44 =	vld [tilespmem:$0x10]  }
0xcf: {  	v38 =	vld [tilespmem:$0x70];
	vm13 =	vlt.s32 v40, $0x2710  }
0xd0: {  	v42 =	vld [tilespmem:$0x30];
	vm14 =	vlt.s32 v41, $0x2710;
	v2 =	vnsel vm13, $0x2710, v40  }
0xd1: {  	v45 =	vld [tilespmem:$0x40];
	vm4 =	vlt.s32 v39, $0x2710;
	v46 =	vnsel vm14, $0x2710, v41;
	[tilespmem:$0x20] =	vst v2  }
0xd2: {  	vm2 =	vlt.s32 v43, $0x2710;
	v1 =	vnsel vm4, $0x2710, v39;
	[tilespmem:$0x50] =	vst v46  }
0xd3: {  	vm6 =	vlt.s32 v44, $0x2710;
	v47 =	vnsel vm2, $0x2710, v43;
	[tilespmem:$0x60] =	vst v1  }
0xd4: {  	vm5 =	vlt.s32 v38, $0x2710;
	v48 =	vnsel vm6, $0x2710, v44;
	[tilespmem:$0x0] =	vst v47  }
0xd5: {  	vm15 =	vlt.s32 v42, $0x2710;
	v0 =	vnsel vm5, $0x2710, v38;
	[tilespmem:$0x10] =	vst v48  }
0xd6: {  	vm7 =	vlt.s32 v45, $0x2710;
	v49 =	vnsel vm15, $0x2710, v42;
	[tilespmem:$0x70] =	vst v0  }
0xd7: {  	v50 =	vnsel vm7, $0x2710, v45;
	[tilespmem:$0x30] =	vst v49  }
0xd8: {  	[tilespmem:$0x40] =	vst v50  }
0xd9: {  	[tilespmem:s25], [sflag:$0x1] =	stream.indirect.gather [hbm4b:s1+s31], $0x80, s0, s31, $0xb8;
	v63 =	vld [tilespmem:$0x0]  }
0xda: {  	_ =	swait.ge [sflag:s29], $0x80  }
0xdb: {  	[sflag:s29] =	ssyncset.done $0x0  }
0xdc: {  	s9 =	sadd.s32 s7, s21;
	[sflag:s29] =	ssyncadd.s32 $0xFFFFFF80  }
0xdd: {  	[tilespmem:s31], [sflag:$0x7] =	stream.linear.gather [hbm4b:s9+s3], $0x80, $0x38;
	v63 =	vld [tilespmem:$0x0]  }
0xde: {  	_ =	swait.ge [sflag:s26], $0x80  }
0xdf: {  	[sflag:s26] =	ssyncset.done $0x0  }
0xe0: {  	[sflag:s26] =	ssyncadd.s32 $0xFFFFFF80  }
0xe1: {  	v51 =	vld [tilespmem:$0x80]  }
0xe2: {  	v52 =	vld [tilespmem:$0xF0]  }
0xe3: {  	v53 =	vld [tilespmem:$0xA0]  }
0xe4: {  	v54 =	vld [tilespmem:$0xB0]  }
0xe5: {  	v55 =	vld [tilespmem:$0xC0]  }
0xe6: {  	v56 =	vld [tilespmem:$0xE0];
	vm8 =	vlt.s32 v51, $0x2710  }
0xe7: {  	v57 =	vld [tilespmem:$0xD0];
	vm9 =	vlt.s32 v52, $0x2710;
	v0 =	vnsel vm8, $0x2710, v51  }
0xe8: {  	v58 =	vld [tilespmem:$0x90];
	vm10 =	vlt.s32 v53, $0x2710;
	v1 =	vnsel vm9, $0x2710, v52;
	[tilespmem:$0x80] =	vst v0  }
0xe9: {  	vm11 =	vlt.s32 v54, $0x2710;
	v2 =	vnsel vm10, $0x2710, v53;
	[tilespmem:$0xF0] =	vst v1  }
0xea: {  	vm12 =	vlt.s32 v55, $0x2710;
	v59 =	vnsel vm11, $0x2710, v54;
	[tilespmem:$0xA0] =	vst v2  }
0xeb: {  	vm13 =	vlt.s32 v56, $0x2710;
	v60 =	vnsel vm12, $0x2710, v55;
	[tilespmem:$0xB0] =	vst v59  }
0xec: {  	vm14 =	vlt.s32 v57, $0x2710;
	v61 =	vnsel vm13, $0x2710, v56;
	[tilespmem:$0xC0] =	vst v60  }
0xed: {  	vm15 =	vlt.s32 v58, $0x2710;
	v62 =	vnsel vm14, $0x2710, v57;
	[tilespmem:$0xE0] =	vst v61  }
0xee: {  	v0 =	vnsel vm15, $0x2710, v58;
	[tilespmem:$0xD0] =	vst v62  }
0xef: {  	[tilespmem:$0x90] =	vst v0  }
0xf0: {  	[tilespmem:s13], [sflag:$0x2] =	stream.indirect.gather [hbm4b:s1+s31], $0x80, s4, s31, $0xb8;
	v63 =	vld [tilespmem:$0x0]  }
0xf1: {  	s18 =	sadd.s32 $0x30, s18;
	_ =	swait.ge [sflag:s30], $0x80  }
0xf2: {  	p0 =	sne.s32 s18, $0x4E0;
	s11 =	rddreg [dreg:$0x5];
	[sflag:s30] =	ssyncset.done $0x0  }
.Ltmp0:
0xf3: {  	[sflag:s30] =	ssyncadd.s32 $0xFFFFFF80;
	s7 =	sadd.s32 s7, s11;
	(pc) =	sbr.rel @p0 .LBB2_2-.Ltmp0, $4  }
0xf4: {  	[tilespmem:s6], [sflag:$0x7] =	stream.linear.gather [hbm4b:s7+s3], $0x80, $0x38;
	v63 =	vld [tilespmem:$0x0]  }
0xf5: {  	_ =	swait.ge [sflag:s26], $0x80  }
0xf6: {  	[sflag:s26] =	ssyncset.done $0x0  }
0xf7: {  	[sflag:s26] =	ssyncadd.s32 $0xFFFFFF80  }
0xf8: {  	v0 =	vld [tilespmem:$0x170]  }
0xf9: {  	v1 =	vld [tilespmem:$0x160]  }
0xfa: {  	v2 =	vld [tilespmem:$0x150]  }
0xfb: {  	v3 =	vld [tilespmem:$0x140]  }
0xfc: {  	v4 =	vld [tilespmem:$0x130]  }
0xfd: {  	v5 =	vld [tilespmem:$0x120];
	vm0 =	vlt.s32 v0, $0x2710  }
0xfe: {  	v6 =	vld [tilespmem:$0x110];
	vm1 =	vlt.s32 v1, $0x2710;
	v0 =	vnsel vm0, $0x2710, v0  }
0xff: {  	v7 =	vld [tilespmem:$0x100];
	vm9 =	vlt.s32 v2, $0x2710;
	v1 =	vnsel vm1, $0x2710, v1;
	[tilespmem:$0x170] =	vst v0  }
0x100: {  	vm10 =	vlt.s32 v3, $0x2710;
	v55 =	vnsel vm9, $0x2710, v2;
	[tilespmem:$0x160] =	vst v1  }
0x101: {  	vm11 =	vlt.s32 v4, $0x2710;
	v56 =	vnsel vm10, $0x2710, v3;
	[tilespmem:$0x150] =	vst v55  }
0x102: {  	vm12 =	vlt.s32 v5, $0x2710;
	v57 =	vnsel vm11, $0x2710, v4;
	[tilespmem:$0x140] =	vst v56  }
0x103: {  	vm13 =	vlt.s32 v6, $0x2710;
	v58 =	vnsel vm12, $0x2710, v5;
	[tilespmem:$0x130] =	vst v57  }
0x104: {  	vm14 =	vlt.s32 v7, $0x2710;
	v59 =	vnsel vm13, $0x2710, v6;
	[tilespmem:$0x120] =	vst v58  }
0x105: {  	v60 =	vnsel vm14, $0x2710, v7;
	[tilespmem:$0x110] =	vst v59  }
0x106: {  	[tilespmem:$0x100] =	vst v60  }
0x107: {  	[tilespmem:s14], [sflag:$0x3] =	stream.indirect.gather [hbm4b:s1+s31], $0x80, s12, s31, $0xb8;
	v63 =	vld [tilespmem:$0x0]  }
0x108: {  	_ =	swait.ge [sflag:s28], $0x4000  }
0x109: {  	[sflag:s28] =	ssyncset.done $0x0  }
0x10a: {  	[sflag:s28] =	ssyncadd.s32 $0xFFFFC000  }
0x10b: {  	[spmem:s2] =	stream.indirect.scatter.add.f32 [tilespmem:s25], [sflag:$0x4], $0x80, s3, s31, $0xb8;
	v63 =	vld [tilespmem:$0x0]  }
0x10c: {  	_ =	swait.ge [sflag:s29], $0x4000  }
0x10d: {  	[sflag:s29] =	ssyncset.done $0x0  }
0x10e: {  	[sflag:s29] =	ssyncadd.s32 $0xFFFFC000  }
0x10f: {  	[spmem:s2] =	stream.indirect.scatter.add.f32 [tilespmem:s13], [sflag:$0x5], $0x80, s31, s31, $0xb8;
	v63 =	vld [tilespmem:$0x0]  }
0x110: {  	_ =	swait.ge [sflag:s30], $0x4000  }
0x111: {  	[sflag:s30] =	ssyncset.done $0x0  }
0x112: {  	[sflag:s30] =	ssyncadd.s32 $0xFFFFC000  }
0x113: {  	[spmem:s2] =	stream.indirect.scatter.add.f32 [tilespmem:s14], [sflag:$0x6], $0x80, s6, s31, $0xb8;
	v63 =	vld [tilespmem:$0x0]  }
0x114: {  	_ =	swait.ge [sflag:s15], $0x4000  }
0x115: {  	[sflag:s15] =	ssyncset.done $0x0  }
0x116: {  	[sflag:s15] =	ssyncadd.s32 $0xFFFFC000  }
0x117: {  	_ =	swait.ge [sflag:s16], $0x4000  }
0x118: {  	[sflag:s16] =	ssyncset.done $0x0  }
0x119: {  	[sflag:s16] =	ssyncadd.s32 $0xFFFFC000  }
0x11a: {  	_ =	swait.ge [sflag:s17], $0x4000  }
0x11b: {  	[sflag:s17] =	ssyncset.done $0x0  }
0x11c: {  	s8 =	simm.s32 $0x300;
	s7 =	rddreg [dreg:$0xb];
	[sflag:s17] =	ssyncadd.s32 $0xFFFFC000  }
0x11d: {  	[tilespmem:s8], [sflag:$0x7] =	stream.linear.gather [hbm4b:s7+s3], $0x10, $0x38;
	v63 =	vld [tilespmem:$0x0]  }
0x11e: {  	_ =	swait.ge [sflag:s26], $0x10  }
0x11f: {  	[sflag:s26] =	ssyncset.done $0x0  }
0x120: {  	s9 =	simm.s32 $0x10;
	s11 =	simm.s32 $0x380;
	[sflag:s26] =	ssyncadd.s32 $0xFFFFFFF0  }
0x121: {  	[tilespmem:s11], [sflag:$0x1] =	stream.indirect.gather [hbm4b:s5+s9], $0x1, s8, s9, $0xb8;
	v63 =	vld [tilespmem:$0x0]  }
0x122: {  	_ =	swait.ge [sflag:s28], $0x10  }
0x123: {  	[sflag:s28] =	ssyncset.done $0x0  }
0x124: {  	[sflag:s28] =	ssyncadd.s32 $0xFFFFFFF0  }
0x125: {  	v61 =	vld [tilespmem:$0x380];
	_ =	sdelay $0x4  }
0x126: {  	s18 =	rddreg [dreg:$0xc];
	[tilespmem:$0x300] =	vst v61  }
0x127: {  	[tilespmem:s11], [sflag:$0x7] =	stream.linear.gather [hbm4b:s18+s3], $0x10, $0x38;
	v63 =	vld [tilespmem:$0x0]  }
0x128: {  	_ =	swait.ge [sflag:s26], $0x10  }
0x129: {  	[sflag:s26] =	ssyncset.done $0x0  }
0x12a: {  	[sflag:s26] =	ssyncadd.s32 $0xFFFFFFF0  }
0x12b: {  	v62 =	vld [tilespmem:$0x380];
	_ =	sdelay $0x4  }
0x12c: {  	vm15 =	vlt.s32 v62, $0x2710  }
0x12d: {  	v0 =	vnsel vm15, $0x2710, v62  }
0x12e: {  	[tilespmem:$0x380] =	vst v0  }
0x12f: {  	[tilespmem:s25], [sflag:$0x1] =	stream.indirect.gather [hbm4b:s1+s9], $0x80, s8, s9, $0xb8;
	v63 =	vld [tilespmem:$0x0]  }
0x130: {  	_ =	swait.ge [sflag:s28], $0x800  }
0x131: {  	[sflag:s28] =	ssyncset.done $0x0  }
0x132: {  	[sflag:s28] =	ssyncadd.s32 $0xFFFFF800  }
0x133: {  	[spmem:s2] =	stream.indirect.scatter.add.f32 [tilespmem:s25], [sflag:$0x7], $0x80, s11, s9, $0xb8;
	v63 =	vld [tilespmem:$0x0]  }
0x134: {  	_ =	swait.ge [sflag:s26], $0x800  }
0x135: {  	[sflag:s26] =	ssyncset.done $0x0  }
0x136: {  	[sflag:s26] =	ssyncadd.s32 $0xFFFFF800  }
0x137: {  	[bflag:$0x0] =	sbarrier.arrive $0xFFFF  }
0x138: {  	s8 =	rddreg [dreg:$0xa]  }
0x139: {  	[tilespmem:s25], [sflag:$0x7] =	stream.linear.gather [spmem:s8], $0x4000, $0x38;
	v63 =	vld [tilespmem:$0x0]  }
0x13a: {  	_ =	swait.ge [sflag:s26], $0x4000  }
0x13b: {  	[sflag:s26] =	ssyncset.done $0x0  }
0x13c: {  	s9 =	rddreg [dreg:$0xd];
	[sflag:s26] =	ssyncadd.s32 $0xFFFFC000  }
0x13d: {  	[hbm4b:s9+s3] =	stream.linear.scatter [tilespmem:s25], [sflag:$0x4], $0x4000, $0x38;
	v63 =	vld [tilespmem:$0x0]  }
0x13e: {  	_ = 	snop  }
0x13f: {  	[tilespmem:s13], [sflag:$0x7] =	stream.linear.gather [spmem:s10], $0x4000, $0x38;
	v63 =	vld [tilespmem:$0x0]  }
0x140: {  	_ =	swait.ge [sflag:s26], $0x4000  }
0x141: {  	[sflag:s26] =	ssyncset.done $0x0  }
0x142: {  	s18 =	smov.u32 s10;
	s10 =	rddreg [dreg:$0xe];
	[sflag:s26] =	ssyncadd.s32 $0xFFFFC000  }
0x143: {  	[hbm4b:s10+s3] =	stream.linear.scatter [tilespmem:s13], [sflag:$0x5], $0x4000, $0x38;
	v63 =	vld [tilespmem:$0x0]  }
0x144: {  	s10 =	rddreg [dreg:$0x8]  }
0x145: {  	[tilespmem:s14], [sflag:$0x7] =	stream.linear.gather [spmem:s10], $0x4000, $0x38;
	v63 =	vld [tilespmem:$0x0]  }
0x146: {  	_ =	swait.ge [sflag:s26], $0x4000  }
0x147: {  	[sflag:s26] =	ssyncset.done $0x0  }
0x148: {  	s11 =	rddreg [dreg:$0xf];
	[sflag:s26] =	ssyncadd.s32 $0xFFFFC000  }
0x149: {  	[hbm4b:s11+s3] =	stream.linear.scatter [tilespmem:s14], [sflag:$0x6], $0x4000, $0x38;
	v63 =	vld [tilespmem:$0x0]  }
0x14a: {  	_ =	swait.ge [sflag:s15], $0x4000  }
0x14b: {  	[sflag:s15] =	ssyncset.done $0x0  }
0x14c: {  	s11 =	rddreg [dreg:$0x7];
	[sflag:s15] =	ssyncadd.s32 $0xFFFFC000  }
0x14d: {  	[tilespmem:s25], [sflag:$0x7] =	stream.linear.gather [spmem:s11], $0x4000, $0x38;
	v63 =	vld [tilespmem:$0x0]  }
0x14e: {  	_ =	swait.ge [sflag:s26], $0x4000  }
0x14f: {  	[sflag:s26] =	ssyncset.done $0x0  }
0x150: {  	s9 =	rddreg [dreg:$0x10];
	[sflag:s26] =	ssyncadd.s32 $0xFFFFC000  }
0x151: {  	[hbm4b:s9+s3] =	stream.linear.scatter [tilespmem:s25], [sflag:$0x4], $0x4000, $0x38;
	v63 =	vld [tilespmem:$0x0]  }
0x152: {  	_ =	swait.ge [sflag:s16], $0x4000  }
0x153: {  	[sflag:s16] =	ssyncset.done $0x0  }
0x154: {  	s9 =	rddreg [dreg:$0x9];
	[sflag:s16] =	ssyncadd.s32 $0xFFFFC000  }
0x155: {  	[tilespmem:s13], [sflag:$0x7] =	stream.linear.gather [spmem:s9], $0x3C00, $0x38;
	v63 =	vld [tilespmem:$0x0]  }
0x156: {  	_ =	swait.ge [sflag:s26], $0x3C00  }
0x157: {  	[sflag:s26] =	ssyncset.done $0x0  }
0x158: {  	s7 =	rddreg [dreg:$0x11];
	[sflag:s26] =	ssyncadd.s32 $0xFFFFC400  }
0x159: {  	[hbm4b:s7+s3] =	stream.linear.scatter [tilespmem:s13], [sflag:$0x5], $0x3C00, $0x38;
	v63 =	vld [tilespmem:$0x0]  }
0x15a: {  	_ =	swait.ge [sflag:s17], $0x4000  }
0x15b: {  	[sflag:s17] =	ssyncset.done $0x0  }
0x15c: {  	[sflag:s17] =	ssyncadd.s32 $0xFFFFC000  }
0x15d: {  	_ =	swait.ge [sflag:s15], $0x4000  }
0x15e: {  	[sflag:s15] =	ssyncset.done $0x0  }
0x15f: {  	[sflag:s15] =	ssyncadd.s32 $0xFFFFC000  }
0x160: {  	_ =	swait.ge [sflag:s16], $0x3C00  }
0x161: {  	s19 =	sadd.s32 $0x1, s19;
	s7 =	rddreg [dreg:$0x12]  }
0x162: {  	p0 =	sne.s32 s19, s7  }
.Ltmp1:
0x163: {  	_ = 	snop;
	(pc) =	sbr.rel @p0 .LBB2_1-.Ltmp1, $3  }
0x164: {  	_ =	sdelay $0x1  }
0x165: {  	[sflag:s16] =	ssyncset.done $0x0  }
0x166: {  	[sflag:s16] =	ssyncadd.s32 $0xFFFFC400  }
0x167: {  	_ =	sfence.sel $0x180000  }
0x168: {  	[bflag:$0x0] =	sbarrier.arrive $0xFFFF  }
0x169: {  	_ =	strace $0x90000047  }
0x16a: {  	s0 =	stileid.u32;
	[bflag:$0x2] =	sbarrier.arrive $0xFFFF  }
0x16b: {  	p0 =	sne.s32 s0, $0x0;
	s0 =	rddreg [dreg:$0x4]  }
0x16c: {  	s0 =	sadd.s32 @!p0 $0x100000, s0  }
0x16d: {  	[sflag:s0] =	ssyncadd.tile.s32 @!p0 $0x1;
	_ =	shalt  }
.Lfunc_end2:
_tile_overlayer_lowered:
.L_overlay_start_2:
0x16e: {  	(tag) =	ssettag $0x2  }
0x16f: {  	s0 =	rddreg [dreg:$0x0];
	s2 =	stileid.u32  }
0x170: {  	s1 =	rddreg [dreg:$0x1];
	p0 =	sne.s32 s2, $0x0  }
0x171: {  	s3 =	rddreg [dreg:$0x2];
	[bflag:$0x3] =	sbarrier.arrive $0xFFFF;
	s2 =	simm.s32 @!p0 $0x1C07  }
0x172: {  	[timem:s3], [sflag:s2] =	dma.local @!p0 [hbm:s0], s1  }
0x173: {  	s0 =	simm.s32 @!p0 $0x7  }
0x174: {  	_ =	swait.ge @!p0 [sflag:s0], s1  }
0x175: {  	s1 =	ssub.s32 @!p0 $0x0, s1;
	[sflag:s0] =	ssyncset.done @!p0 $0x0  }
0x176: {  	[sflag:s0] =	ssyncadd.s32 @!p0 s1  }
0x177: {  	[bflag:$0x3] =	sbarrier.arrive $0xFFFF  }
0x178: {  	_ =	shalt  }

</sc_bundles>
